<compile_context>
chip_gen: v7x
topology: tpu7x:2x2x1
jax: 0.10.2.dev20260603
libtpu: 0.0.44.dev20260713+nightly
codegen_flags: <defaults>
</compile_context>

<pallas_src>
import functools

import jax
import jax.numpy as jnp
from jax import lax
from jax.experimental import pallas as pl
from jax.experimental.pallas import tpu as pltpu
from jax.experimental.pallas import tpu_sc as plsc

B = 16384
D = 64
_EG = 0.5772156649015329
_TINY = 1.1754943508222875e-38


_NE = 100000
_CB = 4096
_NBLK = 25
_NEP = _NBLK * _CB


def _repack_body(*refs):
    n = len(refs) // 3
    for k in range(n):
        xa, xb, o = refs[2 * k], refs[2 * k + 1], refs[2 * n + k]
        x2 = jnp.concatenate([xa[...], xb[...]], axis=0)
        o[...] = jnp.transpose(x2)


def _tc_repack(*tabs):
    n = len(tabs) // 2
    outs = pl.pallas_call(
        _repack_body,
        grid=(_NBLK,),
        in_specs=[pl.BlockSpec((D, _CB), lambda i: (0, i))] * (2 * n),
        out_specs=[pl.BlockSpec((_CB, 2 * D), lambda i: (i, 0))] * n,
        out_shape=[jax.ShapeDtypeStruct((_NEP, 2 * D), jnp.float32)] * n,
    )(*[t.T for t in tabs])
    return list(outs)



_SC_NC = 2
_SC_NS = 16
_CH = 128


@functools.lru_cache(maxsize=None)
def _make_sc_gather_ent():
    mesh = plsc.VectorSubcoreMesh(core_axis_name="c", subcore_axis_name="s")

    @functools.partial(
        pl.kernel,
        mesh=mesh,
        out_type=[jax.ShapeDtypeStruct((B, 2 * D), jnp.float32)] * 2,
        scratch_types=[
            pltpu.VMEM((_CH,), jnp.int32),
            pltpu.VMEM((_CH,), jnp.int32),
            pltpu.VMEM((_CH, 2 * D), jnp.float32),
            pltpu.VMEM((_CH, 2 * D), jnp.float32),
            pltpu.SemaphoreType.DMA,
            pltpu.SemaphoreType.DMA,
        ],
        compiler_params=pltpu.CompilerParams(use_tc_tiling_on_sc=False),
    )
    def sc_gather_ent(heads, tails, ent_pair,
                      o_h, o_t, hidx, tidx, b0, b1, gsem, wsem):
        nw = _SC_NC * _SC_NS
        n_per = B // nw
        wid = lax.axis_index("s") * _SC_NC + lax.axis_index("c")
        base = wid * n_per
        for c in range(n_per // _CH):
            co = base + c * _CH
            pltpu.sync_copy(heads.at[pl.ds(co, _CH)], hidx)
            pltpu.sync_copy(tails.at[pl.ds(co, _CH)], tidx)
            g0 = pltpu.async_copy(ent_pair.at[hidx], b0, gsem)
            g1 = pltpu.async_copy(ent_pair.at[tidx], b1, gsem)
            g0.wait()
            w0 = pltpu.async_copy(b0, o_h.at[pl.ds(co, _CH)], wsem)
            g1.wait()
            w1 = pltpu.async_copy(b1, o_t.at[pl.ds(co, _CH)], wsem)
            w0.wait()
            w1.wait()

    return sc_gather_ent


@functools.lru_cache(maxsize=None)
def _make_sc_gather_rel():
    mesh = plsc.VectorSubcoreMesh(core_axis_name="c", subcore_axis_name="s")

    @functools.partial(
        pl.kernel,
        mesh=mesh,
        out_type=[jax.ShapeDtypeStruct((B, 2 * D), jnp.float32)] * 2,
        scratch_types=[
            pltpu.VMEM((_CH,), jnp.int32),
            pltpu.VMEM((_CH, 2 * D), jnp.float32),
            pltpu.VMEM((_CH, 2 * D), jnp.float32),
            pltpu.SemaphoreType.DMA,
            pltpu.SemaphoreType.DMA,
        ],
        compiler_params=pltpu.CompilerParams(use_tc_tiling_on_sc=False),
    )
    def sc_gather_rel(rels, rh_pair, rt_pair,
                      o_rh, o_rt, ridx, b0, b1, gsem, wsem):
        nw = _SC_NC * _SC_NS
        n_per = B // nw
        wid = lax.axis_index("s") * _SC_NC + lax.axis_index("c")
        base = wid * n_per
        for c in range(n_per // _CH):
            co = base + c * _CH
            pltpu.sync_copy(rels.at[pl.ds(co, _CH)], ridx)
            g0 = pltpu.async_copy(rh_pair.at[ridx], b0, gsem)
            g1 = pltpu.async_copy(rt_pair.at[ridx], b1, gsem)
            g0.wait()
            w0 = pltpu.async_copy(b0, o_rh.at[pl.ds(co, _CH)], wsem)
            g1.wait()
            w1 = pltpu.async_copy(b1, o_rt.at[pl.ds(co, _CH)], wsem)
            w0.wait()
            w1.wait()

    return sc_gather_rel



_TC_R = 4096


def _tc_body(he_r, te_r2, rh_r, rt_r,
             ts_r, te_r, w1_r, b1_r, w2c0_r, w2c1_r, w2c2_r, b2_r, out_r):
    he = he_r[...]
    tt = te_r2[...]
    rh = rh_r[...]
    rt = rt_r[...]

    ts1 = ts_r[...]
    h = jnp.maximum(ts1 * w1_r[...] + b1_r[...], 0.0)
    z = (b2_r[...] + h[:, 0:1] * w2c0_r[...] + h[:, 1:2] * w2c1_r[...]
         + h[:, 2:3] * w2c2_r[...])
    td = 1.0 / (1.0 + jnp.exp(-z))
    te = te_r[...]
    time = (td[:, 0:1] * te[0:1, :] + td[:, 1:2] * te[1:2, :]
            + td[:, 2:3] * te[2:3, :])

    def transform(mn, dl, tr, sc):
        trp = tr - time * jnp.sum(tr * time, axis=1, keepdims=True)
        scp = sc - time * jnp.sum(sc * time, axis=1, keepdims=True)
        mn2 = mn + trp
        dl2 = dl * scp
        return mn2, dl2, mn2 + dl2

    hmn2, hdl2, hmx2 = transform(he[:, :D], jnp.exp(he[:, D:]),
                                 rh[:, :D], rh[:, D:])
    tmn2, tdl2, tmx2 = transform(tt[:, :D], jnp.exp(tt[:, D:]),
                                 rt[:, :D], rt[:, D:])

    def lae(a, b):
        return jnp.maximum(a, b) + jnp.log1p(jnp.exp(-jnp.abs(a - b)))

    imn = lae(hmn2, tmn2)
    imx = -lae(-hmx2, -tmx2)

    c2g = 2.0 * _EG

    def log_vol(d):
        x = d - c2g
        sp = jnp.maximum(x, 0.0) + jnp.log1p(jnp.exp(-jnp.abs(x)))
        sp = jnp.maximum(sp, _TINY)
        return jnp.sum(jnp.log(sp), axis=1, keepdims=True)

    li = log_vol(imx - imn)
    lh = log_vol(hdl2)
    lt = log_vol(tdl2)
    out_r[...] = jnp.minimum(li - lh, li - lt)


def _tc_math(he, te2, rh, rt, ts, te, w1r, b1r, w2c0, w2c1, w2c2, b2r):
    grid = (B // _TC_R,)
    row = pl.BlockSpec((_TC_R, 2 * D), lambda i: (i, 0))
    one = pl.BlockSpec((_TC_R, 1), lambda i: (i, 0))
    small3 = pl.BlockSpec((1, 3), lambda i: (0, 0))
    tes = pl.BlockSpec((3, D), lambda i: (0, 0))
    return pl.pallas_call(
        _tc_body,
        grid=grid,
        in_specs=[row] * 4 + [one, tes, small3, small3, small3, small3,
                              small3, small3],
        out_specs=one,
        out_shape=jax.ShapeDtypeStruct((B, 1), jnp.float32),
    )(he, te2, rh, rt, ts, te, w1r, b1r, w2c0, w2c1, w2c2, b2r)



def kernel(samples, min_embedding, delta_embedding, time_embedding,
           W1, b1, W2, b2, rel_trans_for_head, rel_scale_for_head,
           rel_trans_for_tail, rel_scale_for_tail):
    heads = samples[:, 0]
    tails = samples[:, 1]
    rels = samples[:, 2]
    ts = samples[:, 3].astype(jnp.float32)[:, None]

    (ent_pair,) = _tc_repack(min_embedding, delta_embedding)
    g_h, g_t = _make_sc_gather_ent()(heads, tails, ent_pair)
    rh_pair, rt_pair = _tc_repack(rel_trans_for_head, rel_scale_for_head,
                                  rel_trans_for_tail, rel_scale_for_tail)
    g_rh, g_rt = _make_sc_gather_rel()(rels, rh_pair, rt_pair)

    w1r = W1.reshape(1, 3)
    b1r = b1.reshape(1, 3)
    w2c0 = W2[:, 0].reshape(1, 3)
    w2c1 = W2[:, 1].reshape(1, 3)
    w2c2 = W2[:, 2].reshape(1, 3)
    b2r = b2.reshape(1, 3)

    out = _tc_math(g_h, g_t, g_rh, g_rt, ts, time_embedding,
                   w1r, b1r, w2c0, w2c1, w2c2, b2r)
    return out[:, 0]

# --- scband reference (transcript-rebuilt; emitter-appended) ---
"""Pipeline reference for scband-ptbox-49400713839155 (READ-ONLY COPY).

The authoritative reference and input builder live on the scoring server;
editing this copy changes nothing except your own understanding.
"""

import jax, jax.numpy as jnp
import numpy as np

MAX_ENT = 100000
MAX_REL = 100000
INP_DIM = 64
TK = 3
B = 16384
GUMBEL_BETA = 1.0
EULER_GAMMA = 0.5772156649015329


def setup_inputs(seed: int = 0):
    key = jax.random.key(seed)
    ks = jax.random.split(key, 10)
    samples = jax.random.randint(ks[0], (B, 4), 0, MAX_ENT, dtype=jnp.int32)
    min_embedding = jax.random.uniform(ks[1], (MAX_ENT, INP_DIM), minval=0.0, maxval=1.0)
    delta_embedding = jax.random.uniform(ks[2], (MAX_ENT, INP_DIM), minval=-1.0, maxval=0.0)
    time_embedding = jax.random.normal(ks[3], (TK, INP_DIM), dtype=jnp.float32)
    W1 = jax.random.normal(ks[4], (TK, 1), dtype=jnp.float32) * 0.5
    b1 = jnp.zeros((TK,), dtype=jnp.float32)
    W2 = jax.random.normal(ks[5], (TK, TK), dtype=jnp.float32) * 0.5
    b2 = jnp.zeros((TK,), dtype=jnp.float32)
    rel_trans_for_head = jax.random.normal(ks[6], (MAX_REL, INP_DIM), dtype=jnp.float32) * 1e-4
    rel_scale_for_head = 1.0 + 0.2 * jax.random.normal(ks[7], (MAX_REL, INP_DIM), dtype=jnp.float32)
    rel_trans_for_tail = jax.random.normal(ks[8], (MAX_REL, INP_DIM), dtype=jnp.float32) * 1e-4
    rel_scale_for_tail = 1.0 + 0.2 * jax.random.normal(ks[9], (MAX_REL, INP_DIM), dtype=jnp.float32)
    return {
        "samples": samples,
        "min_embedding": min_embedding,
        "delta_embedding": delta_embedding,
        "time_embedding": time_embedding,
        "W1": W1,
        "b1": b1,
        "W2": W2,
        "b2": b2,
        "rel_trans_for_head": rel_trans_for_head,
        "rel_scale_for_head": rel_scale_for_head,
        "rel_trans_for_tail": rel_trans_for_tail,
        "rel_scale_for_tail": rel_scale_for_tail,
    }


def reference(samples, min_embedding, delta_embedding, time_embedding, W1, b1, W2, b2, rel_trans_for_head, rel_scale_for_head, rel_trans_for_tail, rel_scale_for_tail):
    heads = samples[:, 0]
    tails = samples[:, 1]
    rels = samples[:, 2]
    Ts = samples[:, 3].astype(jnp.float32)
    gb = GUMBEL_BETA

    # __get_entity_boxes: gather min/delta embeddings; max = min + exp(delta)
    h_min = jnp.take(min_embedding, heads, axis=0)
    h_delta = jnp.exp(jnp.take(delta_embedding, heads, axis=0))
    t_min = jnp.take(min_embedding, tails, axis=0)
    t_delta = jnp.exp(jnp.take(delta_embedding, tails, axis=0))

    # time_smooth MLP: Linear(1, tk) -> ReLU -> Linear(tk, tk) -> Sigmoid
    h_ts = jax.nn.relu(Ts[:, None] @ W1.T + b1)
    time_dec = jax.nn.sigmoid(h_ts @ W2.T + b2)
    time = time_dec @ time_embedding  # einsum bk,kd->bd

    def transform(mn, dl, trans, scale):
        tr = trans - time * jnp.sum(trans * time, axis=1, keepdims=True)
        sc = scale - time * jnp.sum(scale * time, axis=1, keepdims=True)
        mn2 = mn + tr
        dl2 = dl * sc
        return mn2, dl2, mn2 + dl2

    h_min2, h_dl2, h_max2 = transform(h_min, h_delta, jnp.take(rel_trans_for_head, rels, axis=0), jnp.take(rel_scale_for_head, rels, axis=0))
    t_min2, t_dl2, t_max2 = transform(t_min, t_delta, jnp.take(rel_trans_for_tail, rels, axis=0), jnp.take(rel_scale_for_tail, rels, axis=0))

    # gumbel-box intersection
    int_min = gb * jnp.logaddexp(h_min2 / gb, t_min2 / gb)
    int_min = jnp.maximum(int_min, jnp.maximum(h_min2, t_min2))
    int_max = -gb * jnp.logaddexp(-h_max2 / gb, -t_max2 / gb)
    int_max = jnp.minimum(int_max, jnp.minimum(h_max2, t_max2))

    eps = jnp.finfo(jnp.float32).tiny

    def log_vol(delta):
        return jnp.sum(jnp.log(jnp.clip(jax.nn.softplus(delta - 2.0 * EULER_GAMMA * gb), eps, None)), axis=-1, keepdims=True)

    li = log_vol(int_max - int_min)
    lh = log_vol(h_dl2)
    lt = log_vol(t_dl2)
    log_pred = jnp.minimum(li - lh, li - lt)
    return jnp.squeeze(log_pred, -1)

if __name__ == "__main__":
    import jax
    _d = setup_inputs()
    print(jax.jit(kernel)(*tuple(_d.values())))

</pallas_src>

<mosaic_0001>
#map = affine_map<(d0, d1) -> (0)>
#map1 = affine_map<(d0, d1) -> (0, 0)>
module attributes {stable_mosaic.version = 14 : i64} {
  func.func @sc_gather_rel(%arg0: i32, %arg1: i32, %arg2: memref<16384xi32, #tpu.memory_space<hbm>>, %arg3: memref<102400x128xf32, #tpu.memory_space<hbm>>, %arg4: memref<102400x128xf32, #tpu.memory_space<hbm>>, %arg5: memref<16384x128xf32, #tpu.memory_space<hbm>>, %arg6: memref<16384x128xf32, #tpu.memory_space<hbm>>, %arg7: memref<128xi32, #tpu.memory_space<vmem>>, %arg8: memref<128x128xf32, #tpu.memory_space<vmem>>, %arg9: memref<128x128xf32, #tpu.memory_space<vmem>>, %arg10: memref<!tpu.dma_semaphore, #tpu.memory_space<semaphore_mem>>, %arg11: memref<!tpu.dma_semaphore, #tpu.memory_space<semaphore_mem>>) attributes {dimension_semantics = [#tpu.dimension_semantics<core_parallel>, #tpu.dimension_semantics<subcore_parallel>], iteration_bounds = array<i64: 2, 16>, scalar_prefetch = 0 : i64, scratch_operands = 5 : i64, tpu.core_type = #tpu.core_type<sc_vector_subcore>, window_params = [{transform_indices = #map}, {transform_indices = #map1}, {transform_indices = #map1}, {transform_indices = #map1}, {transform_indices = #map1}]} {
    %mul3A = arith.constant 2 : i32
    %mul3A_0 = arith.muli %arg1, %mul3A : i32
    %add3A = arith.addi %mul3A_0, %arg0 : i32
    %mul3A_1 = arith.constant 512 : i32
    %mul3A_2 = arith.muli %add3A, %mul3A_1 : i32
    %add3A_3 = arith.constant 0 : i32
    %add3A_4 = arith.addi %mul3A_2, %add3A_3 : i32
    "tpu.region"() ({
      %run_scoped3A = tpu.sem_alloc : memref<!tpu.dma_semaphore, #tpu.memory_space<semaphore_mem>>
      %dma_start3A_121 = tpu.memref_slice %arg2[%add3A_4] : memref<16384xi32, #tpu.memory_space<hbm>> -> memref<128xi32, #tpu.memory_space<hbm>>
      %dma_start3A_122 = tpu.memref_slice %arg2[%add3A_4] : memref<16384xi32, #tpu.memory_space<hbm>> -> memref<128xi32, #tpu.memory_space<hbm>>
      tpu.enqueue_dma source(%dma_start3A_122 : memref<128xi32, #tpu.memory_space<hbm>>) target(%arg7 : memref<128xi32, #tpu.memory_space<vmem>>) target_semaphore(%run_scoped3A : memref<!tpu.dma_semaphore, #tpu.memory_space<semaphore_mem>>)
      %dma_wait3A_123 = tpu.memref_slice %arg2[%add3A_4] : memref<16384xi32, #tpu.memory_space<hbm>> -> memref<128xi32, #tpu.memory_space<hbm>>
      %dma_wait3A_124 = tpu.memref_slice %arg2[%add3A_4] : memref<16384xi32, #tpu.memory_space<hbm>> -> memref<128xi32, #tpu.memory_space<hbm>>
      tpu.wait_dma2 semaphore(%run_scoped3A : memref<!tpu.dma_semaphore, #tpu.memory_space<semaphore_mem>>) src(%dma_wait3A_124 : memref<128xi32, #tpu.memory_space<hbm>>) dst(%arg7 : memref<128xi32, #tpu.memory_space<vmem>>)
      tpu.yield
    }) : () -> ()
    %dma_start3A = arith.constant 0 : i32
    %dma_start3A_5 = arith.constant 0 : i32
    %dma_start3A_6 = tpu.memref_slice %arg3[%dma_start3A, %dma_start3A_5] : memref<102400x128xf32, #tpu.memory_space<hbm>> -> memref<102400x128xf32, #tpu.memory_space<hbm>>
    tpu.enqueue_indirect_dma source(%dma_start3A_6 : memref<102400x128xf32, #tpu.memory_space<hbm>>) target(%arg8 : memref<128x128xf32, #tpu.memory_space<vmem>>) offsets(%arg7 : memref<128xi32, #tpu.memory_space<vmem>>) semaphore(%arg10 : memref<!tpu.dma_semaphore, #tpu.memory_space<semaphore_mem>>)
    %dma_start3A_7 = arith.constant 0 : i32
    %dma_start3A_8 = arith.constant 0 : i32
    %dma_start3A_9 = tpu.memref_slice %arg4[%dma_start3A_7, %dma_start3A_8] : memref<102400x128xf32, #tpu.memory_space<hbm>> -> memref<102400x128xf32, #tpu.memory_space<hbm>>
    tpu.enqueue_indirect_dma source(%dma_start3A_9 : memref<102400x128xf32, #tpu.memory_space<hbm>>) target(%arg9 : memref<128x128xf32, #tpu.memory_space<vmem>>) offsets(%arg7 : memref<128xi32, #tpu.memory_space<vmem>>) semaphore(%arg10 : memref<!tpu.dma_semaphore, #tpu.memory_space<semaphore_mem>>)
    %dma_wait3A = arith.constant 0 : i32
    %dma_wait3A_10 = arith.constant 0 : i32
    %dma_wait3A_11 = tpu.memref_slice %arg3[%dma_wait3A, %dma_wait3A_10] : memref<102400x128xf32, #tpu.memory_space<hbm>> -> memref<102400x128xf32, #tpu.memory_space<hbm>>
    tpu.wait_indirect_dma semaphore(%arg10 : memref<!tpu.dma_semaphore, #tpu.memory_space<semaphore_mem>>) src(%dma_wait3A_11 : memref<102400x128xf32, #tpu.memory_space<hbm>>) dst(%arg8 : memref<128x128xf32, #tpu.memory_space<vmem>>)
    %dma_start3A_12 = arith.constant 0 : i32
    %dma_start3A_13 = tpu.memref_slice %arg5[%add3A_4, %dma_start3A_12] : memref<16384x128xf32, #tpu.memory_space<hbm>> -> memref<128x128xf32, #tpu.memory_space<hbm>>
    %dma_start3A_14 = arith.constant 0 : i32
    %dma_start3A_15 = tpu.memref_slice %arg5[%add3A_4, %dma_start3A_14] : memref<16384x128xf32, #tpu.memory_space<hbm>> -> memref<128x128xf32, #tpu.memory_space<hbm>>
    tpu.enqueue_dma source(%arg8 : memref<128x128xf32, #tpu.memory_space<vmem>>) target(%dma_start3A_15 : memref<128x128xf32, #tpu.memory_space<hbm>>) target_semaphore(%arg11 : memref<!tpu.dma_semaphore, #tpu.memory_space<semaphore_mem>>)
    %dma_wait3A_16 = arith.constant 0 : i32
    %dma_wait3A_17 = arith.constant 0 : i32
    %dma_wait3A_18 = tpu.memref_slice %arg4[%dma_wait3A_16, %dma_wait3A_17] : memref<102400x128xf32, #tpu.memory_space<hbm>> -> memref<102400x128xf32, #tpu.memory_space<hbm>>
    tpu.wait_indirect_dma semaphore(%arg10 : memref<!tpu.dma_semaphore, #tpu.memory_space<semaphore_mem>>) src(%dma_wait3A_18 : memref<102400x128xf32, #tpu.memory_space<hbm>>) dst(%arg9 : memref<128x128xf32, #tpu.memory_space<vmem>>)
    %dma_start3A_19 = arith.constant 0 : i32
    %dma_start3A_20 = tpu.memref_slice %arg6[%add3A_4, %dma_start3A_19] : memref<16384x128xf32, #tpu.memory_space<hbm>> -> memref<128x128xf32, #tpu.memory_space<hbm>>
    %dma_start3A_21 = arith.constant 0 : i32
    %dma_start3A_22 = tpu.memref_slice %arg6[%add3A_4, %dma_start3A_21] : memref<16384x128xf32, #tpu.memory_space<hbm>> -> memref<128x128xf32, #tpu.memory_space<hbm>>
    tpu.enqueue_dma source(%arg9 : memref<128x128xf32, #tpu.memory_space<vmem>>) target(%dma_start3A_22 : memref<128x128xf32, #tpu.memory_space<hbm>>) target_semaphore(%arg11 : memref<!tpu.dma_semaphore, #tpu.memory_space<semaphore_mem>>)
    %dma_wait3A_23 = arith.constant 0 : i32
    %dma_wait3A_24 = tpu.memref_slice %arg5[%add3A_4, %dma_wait3A_23] : memref<16384x128xf32, #tpu.memory_space<hbm>> -> memref<128x128xf32, #tpu.memory_space<hbm>>
    %dma_wait3A_25 = arith.constant 0 : i32
    %dma_wait3A_26 = tpu.memref_slice %arg5[%add3A_4, %dma_wait3A_25] : memref<16384x128xf32, #tpu.memory_space<hbm>> -> memref<128x128xf32, #tpu.memory_space<hbm>>
    tpu.wait_dma2 semaphore(%arg11 : memref<!tpu.dma_semaphore, #tpu.memory_space<semaphore_mem>>) src(%arg8 : memref<128x128xf32, #tpu.memory_space<vmem>>) dst(%dma_wait3A_26 : memref<128x128xf32, #tpu.memory_space<hbm>>)
    %dma_wait3A_27 = arith.constant 0 : i32
    %dma_wait3A_28 = tpu.memref_slice %arg6[%add3A_4, %dma_wait3A_27] : memref<16384x128xf32, #tpu.memory_space<hbm>> -> memref<128x128xf32, #tpu.memory_space<hbm>>
    %dma_wait3A_29 = arith.constant 0 : i32
    %dma_wait3A_30 = tpu.memref_slice %arg6[%add3A_4, %dma_wait3A_29] : memref<16384x128xf32, #tpu.memory_space<hbm>> -> memref<128x128xf32, #tpu.memory_space<hbm>>
    tpu.wait_dma2 semaphore(%arg11 : memref<!tpu.dma_semaphore, #tpu.memory_space<semaphore_mem>>) src(%arg9 : memref<128x128xf32, #tpu.memory_space<vmem>>) dst(%dma_wait3A_30 : memref<128x128xf32, #tpu.memory_space<hbm>>)
    %add3A_31 = arith.constant 128 : i32
    %add3A_32 = arith.addi %mul3A_2, %add3A_31 : i32
    "tpu.region"() ({
      %run_scoped3A = tpu.sem_alloc : memref<!tpu.dma_semaphore, #tpu.memory_space<semaphore_mem>>
      %dma_start3A_121 = tpu.memref_slice %arg2[%add3A_32] : memref<16384xi32, #tpu.memory_space<hbm>> -> memref<128xi32, #tpu.memory_space<hbm>>
      %dma_start3A_122 = tpu.memref_slice %arg2[%add3A_32] : memref<16384xi32, #tpu.memory_space<hbm>> -> memref<128xi32, #tpu.memory_space<hbm>>
      tpu.enqueue_dma source(%dma_start3A_122 : memref<128xi32, #tpu.memory_space<hbm>>) target(%arg7 : memref<128xi32, #tpu.memory_space<vmem>>) target_semaphore(%run_scoped3A : memref<!tpu.dma_semaphore, #tpu.memory_space<semaphore_mem>>)
      %dma_wait3A_123 = tpu.memref_slice %arg2[%add3A_32] : memref<16384xi32, #tpu.memory_space<hbm>> -> memref<128xi32, #tpu.memory_space<hbm>>
      %dma_wait3A_124 = tpu.memref_slice %arg2[%add3A_32] : memref<16384xi32, #tpu.memory_space<hbm>> -> memref<128xi32, #tpu.memory_space<hbm>>
      tpu.wait_dma2 semaphore(%run_scoped3A : memref<!tpu.dma_semaphore, #tpu.memory_space<semaphore_mem>>) src(%dma_wait3A_124 : memref<128xi32, #tpu.memory_space<hbm>>) dst(%arg7 : memref<128xi32, #tpu.memory_space<vmem>>)
      tpu.yield
    }) : () -> ()
    %dma_start3A_33 = arith.constant 0 : i32
    %dma_start3A_34 = arith.constant 0 : i32
    %dma_start3A_35 = tpu.memref_slice %arg3[%dma_start3A_33, %dma_start3A_34] : memref<102400x128xf32, #tpu.memory_space<hbm>> -> memref<102400x128xf32, #tpu.memory_space<hbm>>
    tpu.enqueue_indirect_dma source(%dma_start3A_35 : memref<102400x128xf32, #tpu.memory_space<hbm>>) target(%arg8 : memref<128x128xf32, #tpu.memory_space<vmem>>) offsets(%arg7 : memref<128xi32, #tpu.memory_space<vmem>>) semaphore(%arg10 : memref<!tpu.dma_semaphore, #tpu.memory_space<semaphore_mem>>)
    %dma_start3A_36 = arith.constant 0 : i32
    %dma_start3A_37 = arith.constant 0 : i32
    %dma_start3A_38 = tpu.memref_slice %arg4[%dma_start3A_36, %dma_start3A_37] : memref<102400x128xf32, #tpu.memory_space<hbm>> -> memref<102400x128xf32, #tpu.memory_space<hbm>>
    tpu.enqueue_indirect_dma source(%dma_start3A_38 : memref<102400x128xf32, #tpu.memory_space<hbm>>) target(%arg9 : memref<128x128xf32, #tpu.memory_space<vmem>>) offsets(%arg7 : memref<128xi32, #tpu.memory_space<vmem>>) semaphore(%arg10 : memref<!tpu.dma_semaphore, #tpu.memory_space<semaphore_mem>>)
    %dma_wait3A_39 = arith.constant 0 : i32
    %dma_wait3A_40 = arith.constant 0 : i32
    %dma_wait3A_41 = tpu.memref_slice %arg3[%dma_wait3A_39, %dma_wait3A_40] : memref<102400x128xf32, #tpu.memory_space<hbm>> -> memref<102400x128xf32, #tpu.memory_space<hbm>>
    tpu.wait_indirect_dma semaphore(%arg10 : memref<!tpu.dma_semaphore, #tpu.memory_space<semaphore_mem>>) src(%dma_wait3A_41 : memref<102400x128xf32, #tpu.memory_space<hbm>>) dst(%arg8 : memref<128x128xf32, #tpu.memory_space<vmem>>)
    %dma_start3A_42 = arith.constant 0 : i32
    %dma_start3A_43 = tpu.memref_slice %arg5[%add3A_32, %dma_start3A_42] : memref<16384x128xf32, #tpu.memory_space<hbm>> -> memref<128x128xf32, #tpu.memory_space<hbm>>
    %dma_start3A_44 = arith.constant 0 : i32
    %dma_start3A_45 = tpu.memref_slice %arg5[%add3A_32, %dma_start3A_44] : memref<16384x128xf32, #tpu.memory_space<hbm>> -> memref<128x128xf32, #tpu.memory_space<hbm>>
    tpu.enqueue_dma source(%arg8 : memref<128x128xf32, #tpu.memory_space<vmem>>) target(%dma_start3A_45 : memref<128x128xf32, #tpu.memory_space<hbm>>) target_semaphore(%arg11 : memref<!tpu.dma_semaphore, #tpu.memory_space<semaphore_mem>>)
    %dma_wait3A_46 = arith.constant 0 : i32
    %dma_wait3A_47 = arith.constant 0 : i32
    %dma_wait3A_48 = tpu.memref_slice %arg4[%dma_wait3A_46, %dma_wait3A_47] : memref<102400x128xf32, #tpu.memory_space<hbm>> -> memref<102400x128xf32, #tpu.memory_space<hbm>>
    tpu.wait_indirect_dma semaphore(%arg10 : memref<!tpu.dma_semaphore, #tpu.memory_space<semaphore_mem>>) src(%dma_wait3A_48 : memref<102400x128xf32, #tpu.memory_space<hbm>>) dst(%arg9 : memref<128x128xf32, #tpu.memory_space<vmem>>)
    %dma_start3A_49 = arith.constant 0 : i32
    %dma_start3A_50 = tpu.memref_slice %arg6[%add3A_32, %dma_start3A_49] : memref<16384x128xf32, #tpu.memory_space<hbm>> -> memref<128x128xf32, #tpu.memory_space<hbm>>
    %dma_start3A_51 = arith.constant 0 : i32
    %dma_start3A_52 = tpu.memref_slice %arg6[%add3A_32, %dma_start3A_51] : memref<16384x128xf32, #tpu.memory_space<hbm>> -> memref<128x128xf32, #tpu.memory_space<hbm>>
    tpu.enqueue_dma source(%arg9 : memref<128x128xf32, #tpu.memory_space<vmem>>) target(%dma_start3A_52 : memref<128x128xf32, #tpu.memory_space<hbm>>) target_semaphore(%arg11 : memref<!tpu.dma_semaphore, #tpu.memory_space<semaphore_mem>>)
    %dma_wait3A_53 = arith.constant 0 : i32
    %dma_wait3A_54 = tpu.memref_slice %arg5[%add3A_32, %dma_wait3A_53] : memref<16384x128xf32, #tpu.memory_space<hbm>> -> memref<128x128xf32, #tpu.memory_space<hbm>>
    %dma_wait3A_55 = arith.constant 0 : i32
    %dma_wait3A_56 = tpu.memref_slice %arg5[%add3A_32, %dma_wait3A_55] : memref<16384x128xf32, #tpu.memory_space<hbm>> -> memref<128x128xf32, #tpu.memory_space<hbm>>
    tpu.wait_dma2 semaphore(%arg11 : memref<!tpu.dma_semaphore, #tpu.memory_space<semaphore_mem>>) src(%arg8 : memref<128x128xf32, #tpu.memory_space<vmem>>) dst(%dma_wait3A_56 : memref<128x128xf32, #tpu.memory_space<hbm>>)
    %dma_wait3A_57 = arith.constant 0 : i32
    %dma_wait3A_58 = tpu.memref_slice %arg6[%add3A_32, %dma_wait3A_57] : memref<16384x128xf32, #tpu.memory_space<hbm>> -> memref<128x128xf32, #tpu.memory_space<hbm>>
    %dma_wait3A_59 = arith.constant 0 : i32
    %dma_wait3A_60 = tpu.memref_slice %arg6[%add3A_32, %dma_wait3A_59] : memref<16384x128xf32, #tpu.memory_space<hbm>> -> memref<128x128xf32, #tpu.memory_space<hbm>>
    tpu.wait_dma2 semaphore(%arg11 : memref<!tpu.dma_semaphore, #tpu.memory_space<semaphore_mem>>) src(%arg9 : memref<128x128xf32, #tpu.memory_space<vmem>>) dst(%dma_wait3A_60 : memref<128x128xf32, #tpu.memory_space<hbm>>)
    %add3A_61 = arith.constant 256 : i32
    %add3A_62 = arith.addi %mul3A_2, %add3A_61 : i32
    "tpu.region"() ({
      %run_scoped3A = tpu.sem_alloc : memref<!tpu.dma_semaphore, #tpu.memory_space<semaphore_mem>>
      %dma_start3A_121 = tpu.memref_slice %arg2[%add3A_62] : memref<16384xi32, #tpu.memory_space<hbm>> -> memref<128xi32, #tpu.memory_space<hbm>>
      %dma_start3A_122 = tpu.memref_slice %arg2[%add3A_62] : memref<16384xi32, #tpu.memory_space<hbm>> -> memref<128xi32, #tpu.memory_space<hbm>>
      tpu.enqueue_dma source(%dma_start3A_122 : memref<128xi32, #tpu.memory_space<hbm>>) target(%arg7 : memref<128xi32, #tpu.memory_space<vmem>>) target_semaphore(%run_scoped3A : memref<!tpu.dma_semaphore, #tpu.memory_space<semaphore_mem>>)
      %dma_wait3A_123 = tpu.memref_slice %arg2[%add3A_62] : memref<16384xi32, #tpu.memory_space<hbm>> -> memref<128xi32, #tpu.memory_space<hbm>>
      %dma_wait3A_124 = tpu.memref_slice %arg2[%add3A_62] : memref<16384xi32, #tpu.memory_space<hbm>> -> memref<128xi32, #tpu.memory_space<hbm>>
      tpu.wait_dma2 semaphore(%run_scoped3A : memref<!tpu.dma_semaphore, #tpu.memory_space<semaphore_mem>>) src(%dma_wait3A_124 : memref<128xi32, #tpu.memory_space<hbm>>) dst(%arg7 : memref<128xi32, #tpu.memory_space<vmem>>)
      tpu.yield
    }) : () -> ()
    %dma_start3A_63 = arith.constant 0 : i32
    %dma_start3A_64 = arith.constant 0 : i32
    %dma_start3A_65 = tpu.memref_slice %arg3[%dma_start3A_63, %dma_start3A_64] : memref<102400x128xf32, #tpu.memory_space<hbm>> -> memref<102400x128xf32, #tpu.memory_space<hbm>>
    tpu.enqueue_indirect_dma source(%dma_start3A_65 : memref<102400x128xf32, #tpu.memory_space<hbm>>) target(%arg8 : memref<128x128xf32, #tpu.memory_space<vmem>>) offsets(%arg7 : memref<128xi32, #tpu.memory_space<vmem>>) semaphore(%arg10 : memref<!tpu.dma_semaphore, #tpu.memory_space<semaphore_mem>>)
    %dma_start3A_66 = arith.constant 0 : i32
    %dma_start3A_67 = arith.constant 0 : i32
    %dma_start3A_68 = tpu.memref_slice %arg4[%dma_start3A_66, %dma_start3A_67] : memref<102400x128xf32, #tpu.memory_space<hbm>> -> memref<102400x128xf32, #tpu.memory_space<hbm>>
    tpu.enqueue_indirect_dma source(%dma_start3A_68 : memref<102400x128xf32, #tpu.memory_space<hbm>>) target(%arg9 : memref<128x128xf32, #tpu.memory_space<vmem>>) offsets(%arg7 : memref<128xi32, #tpu.memory_space<vmem>>) semaphore(%arg10 : memref<!tpu.dma_semaphore, #tpu.memory_space<semaphore_mem>>)
    %dma_wait3A_69 = arith.constant 0 : i32
    %dma_wait3A_70 = arith.constant 0 : i32
    %dma_wait3A_71 = tpu.memref_slice %arg3[%dma_wait3A_69, %dma_wait3A_70] : memref<102400x128xf32, #tpu.memory_space<hbm>> -> memref<102400x128xf32, #tpu.memory_space<hbm>>
    tpu.wait_indirect_dma semaphore(%arg10 : memref<!tpu.dma_semaphore, #tpu.memory_space<semaphore_mem>>) src(%dma_wait3A_71 : memref<102400x128xf32, #tpu.memory_space<hbm>>) dst(%arg8 : memref<128x128xf32, #tpu.memory_space<vmem>>)
    %dma_start3A_72 = arith.constant 0 : i32
    %dma_start3A_73 = tpu.memref_slice %arg5[%add3A_62, %dma_start3A_72] : memref<16384x128xf32, #tpu.memory_space<hbm>> -> memref<128x128xf32, #tpu.memory_space<hbm>>
    %dma_start3A_74 = arith.constant 0 : i32
    %dma_start3A_75 = tpu.memref_slice %arg5[%add3A_62, %dma_start3A_74] : memref<16384x128xf32, #tpu.memory_space<hbm>> -> memref<128x128xf32, #tpu.memory_space<hbm>>
    tpu.enqueue_dma source(%arg8 : memref<128x128xf32, #tpu.memory_space<vmem>>) target(%dma_start3A_75 : memref<128x128xf32, #tpu.memory_space<hbm>>) target_semaphore(%arg11 : memref<!tpu.dma_semaphore, #tpu.memory_space<semaphore_mem>>)
    %dma_wait3A_76 = arith.constant 0 : i32
    %dma_wait3A_77 = arith.constant 0 : i32
    %dma_wait3A_78 = tpu.memref_slice %arg4[%dma_wait3A_76, %dma_wait3A_77] : memref<102400x128xf32, #tpu.memory_space<hbm>> -> memref<102400x128xf32, #tpu.memory_space<hbm>>
    tpu.wait_indirect_dma semaphore(%arg10 : memref<!tpu.dma_semaphore, #tpu.memory_space<semaphore_mem>>) src(%dma_wait3A_78 : memref<102400x128xf32, #tpu.memory_space<hbm>>) dst(%arg9 : memref<128x128xf32, #tpu.memory_space<vmem>>)
    %dma_start3A_79 = arith.constant 0 : i32
    %dma_start3A_80 = tpu.memref_slice %arg6[%add3A_62, %dma_start3A_79] : memref<16384x128xf32, #tpu.memory_space<hbm>> -> memref<128x128xf32, #tpu.memory_space<hbm>>
    %dma_start3A_81 = arith.constant 0 : i32
    %dma_start3A_82 = tpu.memref_slice %arg6[%add3A_62, %dma_start3A_81] : memref<16384x128xf32, #tpu.memory_space<hbm>> -> memref<128x128xf32, #tpu.memory_space<hbm>>
    tpu.enqueue_dma source(%arg9 : memref<128x128xf32, #tpu.memory_space<vmem>>) target(%dma_start3A_82 : memref<128x128xf32, #tpu.memory_space<hbm>>) target_semaphore(%arg11 : memref<!tpu.dma_semaphore, #tpu.memory_space<semaphore_mem>>)
    %dma_wait3A_83 = arith.constant 0 : i32
    %dma_wait3A_84 = tpu.memref_slice %arg5[%add3A_62, %dma_wait3A_83] : memref<16384x128xf32, #tpu.memory_space<hbm>> -> memref<128x128xf32, #tpu.memory_space<hbm>>
    %dma_wait3A_85 = arith.constant 0 : i32
    %dma_wait3A_86 = tpu.memref_slice %arg5[%add3A_62, %dma_wait3A_85] : memref<16384x128xf32, #tpu.memory_space<hbm>> -> memref<128x128xf32, #tpu.memory_space<hbm>>
    tpu.wait_dma2 semaphore(%arg11 : memref<!tpu.dma_semaphore, #tpu.memory_space<semaphore_mem>>) src(%arg8 : memref<128x128xf32, #tpu.memory_space<vmem>>) dst(%dma_wait3A_86 : memref<128x128xf32, #tpu.memory_space<hbm>>)
    %dma_wait3A_87 = arith.constant 0 : i32
    %dma_wait3A_88 = tpu.memref_slice %arg6[%add3A_62, %dma_wait3A_87] : memref<16384x128xf32, #tpu.memory_space<hbm>> -> memref<128x128xf32, #tpu.memory_space<hbm>>
    %dma_wait3A_89 = arith.constant 0 : i32
    %dma_wait3A_90 = tpu.memref_slice %arg6[%add3A_62, %dma_wait3A_89] : memref<16384x128xf32, #tpu.memory_space<hbm>> -> memref<128x128xf32, #tpu.memory_space<hbm>>
    tpu.wait_dma2 semaphore(%arg11 : memref<!tpu.dma_semaphore, #tpu.memory_space<semaphore_mem>>) src(%arg9 : memref<128x128xf32, #tpu.memory_space<vmem>>) dst(%dma_wait3A_90 : memref<128x128xf32, #tpu.memory_space<hbm>>)
    %add3A_91 = arith.constant 384 : i32
    %add3A_92 = arith.addi %mul3A_2, %add3A_91 : i32
    "tpu.region"() ({
      %run_scoped3A = tpu.sem_alloc : memref<!tpu.dma_semaphore, #tpu.memory_space<semaphore_mem>>
      %dma_start3A_121 = tpu.memref_slice %arg2[%add3A_92] : memref<16384xi32, #tpu.memory_space<hbm>> -> memref<128xi32, #tpu.memory_space<hbm>>
      %dma_start3A_122 = tpu.memref_slice %arg2[%add3A_92] : memref<16384xi32, #tpu.memory_space<hbm>> -> memref<128xi32, #tpu.memory_space<hbm>>
      tpu.enqueue_dma source(%dma_start3A_122 : memref<128xi32, #tpu.memory_space<hbm>>) target(%arg7 : memref<128xi32, #tpu.memory_space<vmem>>) target_semaphore(%run_scoped3A : memref<!tpu.dma_semaphore, #tpu.memory_space<semaphore_mem>>)
      %dma_wait3A_123 = tpu.memref_slice %arg2[%add3A_92] : memref<16384xi32, #tpu.memory_space<hbm>> -> memref<128xi32, #tpu.memory_space<hbm>>
      %dma_wait3A_124 = tpu.memref_slice %arg2[%add3A_92] : memref<16384xi32, #tpu.memory_space<hbm>> -> memref<128xi32, #tpu.memory_space<hbm>>
      tpu.wait_dma2 semaphore(%run_scoped3A : memref<!tpu.dma_semaphore, #tpu.memory_space<semaphore_mem>>) src(%dma_wait3A_124 : memref<128xi32, #tpu.memory_space<hbm>>) dst(%arg7 : memref<128xi32, #tpu.memory_space<vmem>>)
      tpu.yield
    }) : () -> ()
    %dma_start3A_93 = arith.constant 0 : i32
    %dma_start3A_94 = arith.constant 0 : i32
    %dma_start3A_95 = tpu.memref_slice %arg3[%dma_start3A_93, %dma_start3A_94] : memref<102400x128xf32, #tpu.memory_space<hbm>> -> memref<102400x128xf32, #tpu.memory_space<hbm>>
    tpu.enqueue_indirect_dma source(%dma_start3A_95 : memref<102400x128xf32, #tpu.memory_space<hbm>>) target(%arg8 : memref<128x128xf32, #tpu.memory_space<vmem>>) offsets(%arg7 : memref<128xi32, #tpu.memory_space<vmem>>) semaphore(%arg10 : memref<!tpu.dma_semaphore, #tpu.memory_space<semaphore_mem>>)
    %dma_start3A_96 = arith.constant 0 : i32
    %dma_start3A_97 = arith.constant 0 : i32
    %dma_start3A_98 = tpu.memref_slice %arg4[%dma_start3A_96, %dma_start3A_97] : memref<102400x128xf32, #tpu.memory_space<hbm>> -> memref<102400x128xf32, #tpu.memory_space<hbm>>
    tpu.enqueue_indirect_dma source(%dma_start3A_98 : memref<102400x128xf32, #tpu.memory_space<hbm>>) target(%arg9 : memref<128x128xf32, #tpu.memory_space<vmem>>) offsets(%arg7 : memref<128xi32, #tpu.memory_space<vmem>>) semaphore(%arg10 : memref<!tpu.dma_semaphore, #tpu.memory_space<semaphore_mem>>)
    %dma_wait3A_99 = arith.constant 0 : i32
    %dma_wait3A_100 = arith.constant 0 : i32
    %dma_wait3A_101 = tpu.memref_slice %arg3[%dma_wait3A_99, %dma_wait3A_100] : memref<102400x128xf32, #tpu.memory_space<hbm>> -> memref<102400x128xf32, #tpu.memory_space<hbm>>
    tpu.wait_indirect_dma semaphore(%arg10 : memref<!tpu.dma_semaphore, #tpu.memory_space<semaphore_mem>>) src(%dma_wait3A_101 : memref<102400x128xf32, #tpu.memory_space<hbm>>) dst(%arg8 : memref<128x128xf32, #tpu.memory_space<vmem>>)
    %dma_start3A_102 = arith.constant 0 : i32
    %dma_start3A_103 = tpu.memref_slice %arg5[%add3A_92, %dma_start3A_102] : memref<16384x128xf32, #tpu.memory_space<hbm>> -> memref<128x128xf32, #tpu.memory_space<hbm>>
    %dma_start3A_104 = arith.constant 0 : i32
    %dma_start3A_105 = tpu.memref_slice %arg5[%add3A_92, %dma_start3A_104] : memref<16384x128xf32, #tpu.memory_space<hbm>> -> memref<128x128xf32, #tpu.memory_space<hbm>>
    tpu.enqueue_dma source(%arg8 : memref<128x128xf32, #tpu.memory_space<vmem>>) target(%dma_start3A_105 : memref<128x128xf32, #tpu.memory_space<hbm>>) target_semaphore(%arg11 : memref<!tpu.dma_semaphore, #tpu.memory_space<semaphore_mem>>)
    %dma_wait3A_106 = arith.constant 0 : i32
    %dma_wait3A_107 = arith.constant 0 : i32
    %dma_wait3A_108 = tpu.memref_slice %arg4[%dma_wait3A_106, %dma_wait3A_107] : memref<102400x128xf32, #tpu.memory_space<hbm>> -> memref<102400x128xf32, #tpu.memory_space<hbm>>
    tpu.wait_indirect_dma semaphore(%arg10 : memref<!tpu.dma_semaphore, #tpu.memory_space<semaphore_mem>>) src(%dma_wait3A_108 : memref<102400x128xf32, #tpu.memory_space<hbm>>) dst(%arg9 : memref<128x128xf32, #tpu.memory_space<vmem>>)
    %dma_start3A_109 = arith.constant 0 : i32
    %dma_start3A_110 = tpu.memref_slice %arg6[%add3A_92, %dma_start3A_109] : memref<16384x128xf32, #tpu.memory_space<hbm>> -> memref<128x128xf32, #tpu.memory_space<hbm>>
    %dma_start3A_111 = arith.constant 0 : i32
    %dma_start3A_112 = tpu.memref_slice %arg6[%add3A_92, %dma_start3A_111] : memref<16384x128xf32, #tpu.memory_space<hbm>> -> memref<128x128xf32, #tpu.memory_space<hbm>>
    tpu.enqueue_dma source(%arg9 : memref<128x128xf32, #tpu.memory_space<vmem>>) target(%dma_start3A_112 : memref<128x128xf32, #tpu.memory_space<hbm>>) target_semaphore(%arg11 : memref<!tpu.dma_semaphore, #tpu.memory_space<semaphore_mem>>)
    %dma_wait3A_113 = arith.constant 0 : i32
    %dma_wait3A_114 = tpu.memref_slice %arg5[%add3A_92, %dma_wait3A_113] : memref<16384x128xf32, #tpu.memory_space<hbm>> -> memref<128x128xf32, #tpu.memory_space<hbm>>
    %dma_wait3A_115 = arith.constant 0 : i32
    %dma_wait3A_116 = tpu.memref_slice %arg5[%add3A_92, %dma_wait3A_115] : memref<16384x128xf32, #tpu.memory_space<hbm>> -> memref<128x128xf32, #tpu.memory_space<hbm>>
    tpu.wait_dma2 semaphore(%arg11 : memref<!tpu.dma_semaphore, #tpu.memory_space<semaphore_mem>>) src(%arg8 : memref<128x128xf32, #tpu.memory_space<vmem>>) dst(%dma_wait3A_116 : memref<128x128xf32, #tpu.memory_space<hbm>>)
    %dma_wait3A_117 = arith.constant 0 : i32
    %dma_wait3A_118 = tpu.memref_slice %arg6[%add3A_92, %dma_wait3A_117] : memref<16384x128xf32, #tpu.memory_space<hbm>> -> memref<128x128xf32, #tpu.memory_space<hbm>>
    %dma_wait3A_119 = arith.constant 0 : i32
    %dma_wait3A_120 = tpu.memref_slice %arg6[%add3A_92, %dma_wait3A_119] : memref<16384x128xf32, #tpu.memory_space<hbm>> -> memref<128x128xf32, #tpu.memory_space<hbm>>
    tpu.wait_dma2 semaphore(%arg11 : memref<!tpu.dma_semaphore, #tpu.memory_space<semaphore_mem>>) src(%arg9 : memref<128x128xf32, #tpu.memory_space<vmem>>) dst(%dma_wait3A_120 : memref<128x128xf32, #tpu.memory_space<hbm>>)
    return
  }
}

#map = affine_map<(d0, d1) -> (0)>
#map1 = affine_map<(d0, d1) -> (0, 0)>
module attributes {stable_mosaic.version = 14 : i64} {
  func.func @sc_gather_ent(%arg0: i32, %arg1: i32, %arg2: memref<16384xi32, #tpu.memory_space<hbm>>, %arg3: memref<16384xi32, #tpu.memory_space<hbm>>, %arg4: memref<102400x128xf32, #tpu.memory_space<hbm>>, %arg5: memref<16384x128xf32, #tpu.memory_space<hbm>>, %arg6: memref<16384x128xf32, #tpu.memory_space<hbm>>, %arg7: memref<128xi32, #tpu.memory_space<vmem>>, %arg8: memref<128xi32, #tpu.memory_space<vmem>>, %arg9: memref<128x128xf32, #tpu.memory_space<vmem>>, %arg10: memref<128x128xf32, #tpu.memory_space<vmem>>, %arg11: memref<!tpu.dma_semaphore, #tpu.memory_space<semaphore_mem>>, %arg12: memref<!tpu.dma_semaphore, #tpu.memory_space<semaphore_mem>>) attributes {dimension_semantics = [#tpu.dimension_semantics<core_parallel>, #tpu.dimension_semantics<subcore_parallel>], iteration_bounds = array<i64: 2, 16>, scalar_prefetch = 0 : i64, scratch_operands = 6 : i64, tpu.core_type = #tpu.core_type<sc_vector_subcore>, window_params = [{transform_indices = #map}, {transform_indices = #map}, {transform_indices = #map1}, {transform_indices = #map1}, {transform_indices = #map1}]} {
    %mul3A = arith.constant 2 : i32
    %mul3A_0 = arith.muli %arg1, %mul3A : i32
    %add3A = arith.addi %mul3A_0, %arg0 : i32
    %mul3A_1 = arith.constant 512 : i32
    %mul3A_2 = arith.muli %add3A, %mul3A_1 : i32
    %add3A_3 = arith.constant 0 : i32
    %add3A_4 = arith.addi %mul3A_2, %add3A_3 : i32
    "tpu.region"() ({
      %run_scoped3A = tpu.sem_alloc : memref<!tpu.dma_semaphore, #tpu.memory_space<semaphore_mem>>
      %dma_start3A_121 = tpu.memref_slice %arg2[%add3A_4] : memref<16384xi32, #tpu.memory_space<hbm>> -> memref<128xi32, #tpu.memory_space<hbm>>
      %dma_start3A_122 = tpu.memref_slice %arg2[%add3A_4] : memref<16384xi32, #tpu.memory_space<hbm>> -> memref<128xi32, #tpu.memory_space<hbm>>
      tpu.enqueue_dma source(%dma_start3A_122 : memref<128xi32, #tpu.memory_space<hbm>>) target(%arg7 : memref<128xi32, #tpu.memory_space<vmem>>) target_semaphore(%run_scoped3A : memref<!tpu.dma_semaphore, #tpu.memory_space<semaphore_mem>>)
      %dma_wait3A_123 = tpu.memref_slice %arg2[%add3A_4] : memref<16384xi32, #tpu.memory_space<hbm>> -> memref<128xi32, #tpu.memory_space<hbm>>
      %dma_wait3A_124 = tpu.memref_slice %arg2[%add3A_4] : memref<16384xi32, #tpu.memory_space<hbm>> -> memref<128xi32, #tpu.memory_space<hbm>>
      tpu.wait_dma2 semaphore(%run_scoped3A : memref<!tpu.dma_semaphore, #tpu.memory_space<semaphore_mem>>) src(%dma_wait3A_124 : memref<128xi32, #tpu.memory_space<hbm>>) dst(%arg7 : memref<128xi32, #tpu.memory_space<vmem>>)
      tpu.yield
    }) : () -> ()
    "tpu.region"() ({
      %run_scoped3A = tpu.sem_alloc : memref<!tpu.dma_semaphore, #tpu.memory_space<semaphore_mem>>
      %dma_start3A_121 = tpu.memref_slice %arg3[%add3A_4] : memref<16384xi32, #tpu.memory_space<hbm>> -> memref<128xi32, #tpu.memory_space<hbm>>
      %dma_start3A_122 = tpu.memref_slice %arg3[%add3A_4] : memref<16384xi32, #tpu.memory_space<hbm>> -> memref<128xi32, #tpu.memory_space<hbm>>
      tpu.enqueue_dma source(%dma_start3A_122 : memref<128xi32, #tpu.memory_space<hbm>>) target(%arg8 : memref<128xi32, #tpu.memory_space<vmem>>) target_semaphore(%run_scoped3A : memref<!tpu.dma_semaphore, #tpu.memory_space<semaphore_mem>>)
      %dma_wait3A_123 = tpu.memref_slice %arg3[%add3A_4] : memref<16384xi32, #tpu.memory_space<hbm>> -> memref<128xi32, #tpu.memory_space<hbm>>
      %dma_wait3A_124 = tpu.memref_slice %arg3[%add3A_4] : memref<16384xi32, #tpu.memory_space<hbm>> -> memref<128xi32, #tpu.memory_space<hbm>>
      tpu.wait_dma2 semaphore(%run_scoped3A : memref<!tpu.dma_semaphore, #tpu.memory_space<semaphore_mem>>) src(%dma_wait3A_124 : memref<128xi32, #tpu.memory_space<hbm>>) dst(%arg8 : memref<128xi32, #tpu.memory_space<vmem>>)
      tpu.yield
    }) : () -> ()
    %dma_start3A = arith.constant 0 : i32
    %dma_start3A_5 = arith.constant 0 : i32
    %dma_start3A_6 = tpu.memref_slice %arg4[%dma_start3A, %dma_start3A_5] : memref<102400x128xf32, #tpu.memory_space<hbm>> -> memref<102400x128xf32, #tpu.memory_space<hbm>>
    tpu.enqueue_indirect_dma source(%dma_start3A_6 : memref<102400x128xf32, #tpu.memory_space<hbm>>) target(%arg9 : memref<128x128xf32, #tpu.memory_space<vmem>>) offsets(%arg7 : memref<128xi32, #tpu.memory_space<vmem>>) semaphore(%arg11 : memref<!tpu.dma_semaphore, #tpu.memory_space<semaphore_mem>>)
    %dma_start3A_7 = arith.constant 0 : i32
    %dma_start3A_8 = arith.constant 0 : i32
    %dma_start3A_9 = tpu.memref_slice %arg4[%dma_start3A_7, %dma_start3A_8] : memref<102400x128xf32, #tpu.memory_space<hbm>> -> memref<102400x128xf32, #tpu.memory_space<hbm>>
    tpu.enqueue_indirect_dma source(%dma_start3A_9 : memref<102400x128xf32, #tpu.memory_space<hbm>>) target(%arg10 : memref<128x128xf32, #tpu.memory_space<vmem>>) offsets(%arg8 : memref<128xi32, #tpu.memory_space<vmem>>) semaphore(%arg11 : memref<!tpu.dma_semaphore, #tpu.memory_space<semaphore_mem>>)
    %dma_wait3A = arith.constant 0 : i32
    %dma_wait3A_10 = arith.constant 0 : i32
    %dma_wait3A_11 = tpu.memref_slice %arg4[%dma_wait3A, %dma_wait3A_10] : memref<102400x128xf32, #tpu.memory_space<hbm>> -> memref<102400x128xf32, #tpu.memory_space<hbm>>
    tpu.wait_indirect_dma semaphore(%arg11 : memref<!tpu.dma_semaphore, #tpu.memory_space<semaphore_mem>>) src(%dma_wait3A_11 : memref<102400x128xf32, #tpu.memory_space<hbm>>) dst(%arg9 : memref<128x128xf32, #tpu.memory_space<vmem>>)
    %dma_start3A_12 = arith.constant 0 : i32
    %dma_start3A_13 = tpu.memref_slice %arg5[%add3A_4, %dma_start3A_12] : memref<16384x128xf32, #tpu.memory_space<hbm>> -> memref<128x128xf32, #tpu.memory_space<hbm>>
    %dma_start3A_14 = arith.constant 0 : i32
    %dma_start3A_15 = tpu.memref_slice %arg5[%add3A_4, %dma_start3A_14] : memref<16384x128xf32, #tpu.memory_space<hbm>> -> memref<128x128xf32, #tpu.memory_space<hbm>>
    tpu.enqueue_dma source(%arg9 : memref<128x128xf32, #tpu.memory_space<vmem>>) target(%dma_start3A_15 : memref<128x128xf32, #tpu.memory_space<hbm>>) target_semaphore(%arg12 : memref<!tpu.dma_semaphore, #tpu.memory_space<semaphore_mem>>)
    %dma_wait3A_16 = arith.constant 0 : i32
    %dma_wait3A_17 = arith.constant 0 : i32
    %dma_wait3A_18 = tpu.memref_slice %arg4[%dma_wait3A_16, %dma_wait3A_17] : memref<102400x128xf32, #tpu.memory_space<hbm>> -> memref<102400x128xf32, #tpu.memory_space<hbm>>
    tpu.wait_indirect_dma semaphore(%arg11 : memref<!tpu.dma_semaphore, #tpu.memory_space<semaphore_mem>>) src(%dma_wait3A_18 : memref<102400x128xf32, #tpu.memory_space<hbm>>) dst(%arg10 : memref<128x128xf32, #tpu.memory_space<vmem>>)
    %dma_start3A_19 = arith.constant 0 : i32
    %dma_start3A_20 = tpu.memref_slice %arg6[%add3A_4, %dma_start3A_19] : memref<16384x128xf32, #tpu.memory_space<hbm>> -> memref<128x128xf32, #tpu.memory_space<hbm>>
    %dma_start3A_21 = arith.constant 0 : i32
    %dma_start3A_22 = tpu.memref_slice %arg6[%add3A_4, %dma_start3A_21] : memref<16384x128xf32, #tpu.memory_space<hbm>> -> memref<128x128xf32, #tpu.memory_space<hbm>>
    tpu.enqueue_dma source(%arg10 : memref<128x128xf32, #tpu.memory_space<vmem>>) target(%dma_start3A_22 : memref<128x128xf32, #tpu.memory_space<hbm>>) target_semaphore(%arg12 : memref<!tpu.dma_semaphore, #tpu.memory_space<semaphore_mem>>)
    %dma_wait3A_23 = arith.constant 0 : i32
    %dma_wait3A_24 = tpu.memref_slice %arg5[%add3A_4, %dma_wait3A_23] : memref<16384x128xf32, #tpu.memory_space<hbm>> -> memref<128x128xf32, #tpu.memory_space<hbm>>
    %dma_wait3A_25 = arith.constant 0 : i32
    %dma_wait3A_26 = tpu.memref_slice %arg5[%add3A_4, %dma_wait3A_25] : memref<16384x128xf32, #tpu.memory_space<hbm>> -> memref<128x128xf32, #tpu.memory_space<hbm>>
    tpu.wait_dma2 semaphore(%arg12 : memref<!tpu.dma_semaphore, #tpu.memory_space<semaphore_mem>>) src(%arg9 : memref<128x128xf32, #tpu.memory_space<vmem>>) dst(%dma_wait3A_26 : memref<128x128xf32, #tpu.memory_space<hbm>>)
    %dma_wait3A_27 = arith.constant 0 : i32
    %dma_wait3A_28 = tpu.memref_slice %arg6[%add3A_4, %dma_wait3A_27] : memref<16384x128xf32, #tpu.memory_space<hbm>> -> memref<128x128xf32, #tpu.memory_space<hbm>>
    %dma_wait3A_29 = arith.constant 0 : i32
    %dma_wait3A_30 = tpu.memref_slice %arg6[%add3A_4, %dma_wait3A_29] : memref<16384x128xf32, #tpu.memory_space<hbm>> -> memref<128x128xf32, #tpu.memory_space<hbm>>
    tpu.wait_dma2 semaphore(%arg12 : memref<!tpu.dma_semaphore, #tpu.memory_space<semaphore_mem>>) src(%arg10 : memref<128x128xf32, #tpu.memory_space<vmem>>) dst(%dma_wait3A_30 : memref<128x128xf32, #tpu.memory_space<hbm>>)
    %add3A_31 = arith.constant 128 : i32
    %add3A_32 = arith.addi %mul3A_2, %add3A_31 : i32
    "tpu.region"() ({
      %run_scoped3A = tpu.sem_alloc : memref<!tpu.dma_semaphore, #tpu.memory_space<semaphore_mem>>
      %dma_start3A_121 = tpu.memref_slice %arg2[%add3A_32] : memref<16384xi32, #tpu.memory_space<hbm>> -> memref<128xi32, #tpu.memory_space<hbm>>
      %dma_start3A_122 = tpu.memref_slice %arg2[%add3A_32] : memref<16384xi32, #tpu.memory_space<hbm>> -> memref<128xi32, #tpu.memory_space<hbm>>
      tpu.enqueue_dma source(%dma_start3A_122 : memref<128xi32, #tpu.memory_space<hbm>>) target(%arg7 : memref<128xi32, #tpu.memory_space<vmem>>) target_semaphore(%run_scoped3A : memref<!tpu.dma_semaphore, #tpu.memory_space<semaphore_mem>>)
      %dma_wait3A_123 = tpu.memref_slice %arg2[%add3A_32] : memref<16384xi32, #tpu.memory_space<hbm>> -> memref<128xi32, #tpu.memory_space<hbm>>
      %dma_wait3A_124 = tpu.memref_slice %arg2[%add3A_32] : memref<16384xi32, #tpu.memory_space<hbm>> -> memref<128xi32, #tpu.memory_space<hbm>>
      tpu.wait_dma2 semaphore(%run_scoped3A : memref<!tpu.dma_semaphore, #tpu.memory_space<semaphore_mem>>) src(%dma_wait3A_124 : memref<128xi32, #tpu.memory_space<hbm>>) dst(%arg7 : memref<128xi32, #tpu.memory_space<vmem>>)
      tpu.yield
    }) : () -> ()
    "tpu.region"() ({
      %run_scoped3A = tpu.sem_alloc : memref<!tpu.dma_semaphore, #tpu.memory_space<semaphore_mem>>
      %dma_start3A_121 = tpu.memref_slice %arg3[%add3A_32] : memref<16384xi32, #tpu.memory_space<hbm>> -> memref<128xi32, #tpu.memory_space<hbm>>
      %dma_start3A_122 = tpu.memref_slice %arg3[%add3A_32] : memref<16384xi32, #tpu.memory_space<hbm>> -> memref<128xi32, #tpu.memory_space<hbm>>
      tpu.enqueue_dma source(%dma_start3A_122 : memref<128xi32, #tpu.memory_space<hbm>>) target(%arg8 : memref<128xi32, #tpu.memory_space<vmem>>) target_semaphore(%run_scoped3A : memref<!tpu.dma_semaphore, #tpu.memory_space<semaphore_mem>>)
      %dma_wait3A_123 = tpu.memref_slice %arg3[%add3A_32] : memref<16384xi32, #tpu.memory_space<hbm>> -> memref<128xi32, #tpu.memory_space<hbm>>
      %dma_wait3A_124 = tpu.memref_slice %arg3[%add3A_32] : memref<16384xi32, #tpu.memory_space<hbm>> -> memref<128xi32, #tpu.memory_space<hbm>>
      tpu.wait_dma2 semaphore(%run_scoped3A : memref<!tpu.dma_semaphore, #tpu.memory_space<semaphore_mem>>) src(%dma_wait3A_124 : memref<128xi32, #tpu.memory_space<hbm>>) dst(%arg8 : memref<128xi32, #tpu.memory_space<vmem>>)
      tpu.yield
    }) : () -> ()
    %dma_start3A_33 = arith.constant 0 : i32
    %dma_start3A_34 = arith.constant 0 : i32
    %dma_start3A_35 = tpu.memref_slice %arg4[%dma_start3A_33, %dma_start3A_34] : memref<102400x128xf32, #tpu.memory_space<hbm>> -> memref<102400x128xf32, #tpu.memory_space<hbm>>
    tpu.enqueue_indirect_dma source(%dma_start3A_35 : memref<102400x128xf32, #tpu.memory_space<hbm>>) target(%arg9 : memref<128x128xf32, #tpu.memory_space<vmem>>) offsets(%arg7 : memref<128xi32, #tpu.memory_space<vmem>>) semaphore(%arg11 : memref<!tpu.dma_semaphore, #tpu.memory_space<semaphore_mem>>)
    %dma_start3A_36 = arith.constant 0 : i32
    %dma_start3A_37 = arith.constant 0 : i32
    %dma_start3A_38 = tpu.memref_slice %arg4[%dma_start3A_36, %dma_start3A_37] : memref<102400x128xf32, #tpu.memory_space<hbm>> -> memref<102400x128xf32, #tpu.memory_space<hbm>>
    tpu.enqueue_indirect_dma source(%dma_start3A_38 : memref<102400x128xf32, #tpu.memory_space<hbm>>) target(%arg10 : memref<128x128xf32, #tpu.memory_space<vmem>>) offsets(%arg8 : memref<128xi32, #tpu.memory_space<vmem>>) semaphore(%arg11 : memref<!tpu.dma_semaphore, #tpu.memory_space<semaphore_mem>>)
    %dma_wait3A_39 = arith.constant 0 : i32
    %dma_wait3A_40 = arith.constant 0 : i32
    %dma_wait3A_41 = tpu.memref_slice %arg4[%dma_wait3A_39, %dma_wait3A_40] : memref<102400x128xf32, #tpu.memory_space<hbm>> -> memref<102400x128xf32, #tpu.memory_space<hbm>>
    tpu.wait_indirect_dma semaphore(%arg11 : memref<!tpu.dma_semaphore, #tpu.memory_space<semaphore_mem>>) src(%dma_wait3A_41 : memref<102400x128xf32, #tpu.memory_space<hbm>>) dst(%arg9 : memref<128x128xf32, #tpu.memory_space<vmem>>)
    %dma_start3A_42 = arith.constant 0 : i32
    %dma_start3A_43 = tpu.memref_slice %arg5[%add3A_32, %dma_start3A_42] : memref<16384x128xf32, #tpu.memory_space<hbm>> -> memref<128x128xf32, #tpu.memory_space<hbm>>
    %dma_start3A_44 = arith.constant 0 : i32
    %dma_start3A_45 = tpu.memref_slice %arg5[%add3A_32, %dma_start3A_44] : memref<16384x128xf32, #tpu.memory_space<hbm>> -> memref<128x128xf32, #tpu.memory_space<hbm>>
    tpu.enqueue_dma source(%arg9 : memref<128x128xf32, #tpu.memory_space<vmem>>) target(%dma_start3A_45 : memref<128x128xf32, #tpu.memory_space<hbm>>) target_semaphore(%arg12 : memref<!tpu.dma_semaphore, #tpu.memory_space<semaphore_mem>>)
    %dma_wait3A_46 = arith.constant 0 : i32
    %dma_wait3A_47 = arith.constant 0 : i32
    %dma_wait3A_48 = tpu.memref_slice %arg4[%dma_wait3A_46, %dma_wait3A_47] : memref<102400x128xf32, #tpu.memory_space<hbm>> -> memref<102400x128xf32, #tpu.memory_space<hbm>>
    tpu.wait_indirect_dma semaphore(%arg11 : memref<!tpu.dma_semaphore, #tpu.memory_space<semaphore_mem>>) src(%dma_wait3A_48 : memref<102400x128xf32, #tpu.memory_space<hbm>>) dst(%arg10 : memref<128x128xf32, #tpu.memory_space<vmem>>)
    %dma_start3A_49 = arith.constant 0 : i32
    %dma_start3A_50 = tpu.memref_slice %arg6[%add3A_32, %dma_start3A_49] : memref<16384x128xf32, #tpu.memory_space<hbm>> -> memref<128x128xf32, #tpu.memory_space<hbm>>
    %dma_start3A_51 = arith.constant 0 : i32
    %dma_start3A_52 = tpu.memref_slice %arg6[%add3A_32, %dma_start3A_51] : memref<16384x128xf32, #tpu.memory_space<hbm>> -> memref<128x128xf32, #tpu.memory_space<hbm>>
    tpu.enqueue_dma source(%arg10 : memref<128x128xf32, #tpu.memory_space<vmem>>) target(%dma_start3A_52 : memref<128x128xf32, #tpu.memory_space<hbm>>) target_semaphore(%arg12 : memref<!tpu.dma_semaphore, #tpu.memory_space<semaphore_mem>>)
    %dma_wait3A_53 = arith.constant 0 : i32
    %dma_wait3A_54 = tpu.memref_slice %arg5[%add3A_32, %dma_wait3A_53] : memref<16384x128xf32, #tpu.memory_space<hbm>> -> memref<128x128xf32, #tpu.memory_space<hbm>>
    %dma_wait3A_55 = arith.constant 0 : i32
    %dma_wait3A_56 = tpu.memref_slice %arg5[%add3A_32, %dma_wait3A_55] : memref<16384x128xf32, #tpu.memory_space<hbm>> -> memref<128x128xf32, #tpu.memory_space<hbm>>
    tpu.wait_dma2 semaphore(%arg12 : memref<!tpu.dma_semaphore, #tpu.memory_space<semaphore_mem>>) src(%arg9 : memref<128x128xf32, #tpu.memory_space<vmem>>) dst(%dma_wait3A_56 : memref<128x128xf32, #tpu.memory_space<hbm>>)
    %dma_wait3A_57 = arith.constant 0 : i32
    %dma_wait3A_58 = tpu.memref_slice %arg6[%add3A_32, %dma_wait3A_57] : memref<16384x128xf32, #tpu.memory_space<hbm>> -> memref<128x128xf32, #tpu.memory_space<hbm>>
    %dma_wait3A_59 = arith.constant 0 : i32
    %dma_wait3A_60 = tpu.memref_slice %arg6[%add3A_32, %dma_wait3A_59] : memref<16384x128xf32, #tpu.memory_space<hbm>> -> memref<128x128xf32, #tpu.memory_space<hbm>>
    tpu.wait_dma2 semaphore(%arg12 : memref<!tpu.dma_semaphore, #tpu.memory_space<semaphore_mem>>) src(%arg10 : memref<128x128xf32, #tpu.memory_space<vmem>>) dst(%dma_wait3A_60 : memref<128x128xf32, #tpu.memory_space<hbm>>)
    %add3A_61 = arith.constant 256 : i32
    %add3A_62 = arith.addi %mul3A_2, %add3A_61 : i32
    "tpu.region"() ({
      %run_scoped3A = tpu.sem_alloc : memref<!tpu.dma_semaphore, #tpu.memory_space<semaphore_mem>>
      %dma_start3A_121 = tpu.memref_slice %arg2[%add3A_62] : memref<16384xi32, #tpu.memory_space<hbm>> -> memref<128xi32, #tpu.memory_space<hbm>>
      %dma_start3A_122 = tpu.memref_slice %arg2[%add3A_62] : memref<16384xi32, #tpu.memory_space<hbm>> -> memref<128xi32, #tpu.memory_space<hbm>>
      tpu.enqueue_dma source(%dma_start3A_122 : memref<128xi32, #tpu.memory_space<hbm>>) target(%arg7 : memref<128xi32, #tpu.memory_space<vmem>>) target_semaphore(%run_scoped3A : memref<!tpu.dma_semaphore, #tpu.memory_space<semaphore_mem>>)
      %dma_wait3A_123 = tpu.memref_slice %arg2[%add3A_62] : memref<16384xi32, #tpu.memory_space<hbm>> -> memref<128xi32, #tpu.memory_space<hbm>>
      %dma_wait3A_124 = tpu.memref_slice %arg2[%add3A_62] : memref<16384xi32, #tpu.memory_space<hbm>> -> memref<128xi32, #tpu.memory_space<hbm>>
      tpu.wait_dma2 semaphore(%run_scoped3A : memref<!tpu.dma_semaphore, #tpu.memory_space<semaphore_mem>>) src(%dma_wait3A_124 : memref<128xi32, #tpu.memory_space<hbm>>) dst(%arg7 : memref<128xi32, #tpu.memory_space<vmem>>)
      tpu.yield
    }) : () -> ()
    "tpu.region"() ({
      %run_scoped3A = tpu.sem_alloc : memref<!tpu.dma_semaphore, #tpu.memory_space<semaphore_mem>>
      %dma_start3A_121 = tpu.memref_slice %arg3[%add3A_62] : memref<16384xi32, #tpu.memory_space<hbm>> -> memref<128xi32, #tpu.memory_space<hbm>>
      %dma_start3A_122 = tpu.memref_slice %arg3[%add3A_62] : memref<16384xi32, #tpu.memory_space<hbm>> -> memref<128xi32, #tpu.memory_space<hbm>>
      tpu.enqueue_dma source(%dma_start3A_122 : memref<128xi32, #tpu.memory_space<hbm>>) target(%arg8 : memref<128xi32, #tpu.memory_space<vmem>>) target_semaphore(%run_scoped3A : memref<!tpu.dma_semaphore, #tpu.memory_space<semaphore_mem>>)
      %dma_wait3A_123 = tpu.memref_slice %arg3[%add3A_62] : memref<16384xi32, #tpu.memory_space<hbm>> -> memref<128xi32, #tpu.memory_space<hbm>>
      %dma_wait3A_124 = tpu.memref_slice %arg3[%add3A_62] : memref<16384xi32, #tpu.memory_space<hbm>> -> memref<128xi32, #tpu.memory_space<hbm>>
      tpu.wait_dma2 semaphore(%run_scoped3A : memref<!tpu.dma_semaphore, #tpu.memory_space<semaphore_mem>>) src(%dma_wait3A_124 : memref<128xi32, #tpu.memory_space<hbm>>) dst(%arg8 : memref<128xi32, #tpu.memory_space<vmem>>)
      tpu.yield
    }) : () -> ()
    %dma_start3A_63 = arith.constant 0 : i32
    %dma_start3A_64 = arith.constant 0 : i32
    %dma_start3A_65 = tpu.memref_slice %arg4[%dma_start3A_63, %dma_start3A_64] : memref<102400x128xf32, #tpu.memory_space<hbm>> -> memref<102400x128xf32, #tpu.memory_space<hbm>>
    tpu.enqueue_indirect_dma source(%dma_start3A_65 : memref<102400x128xf32, #tpu.memory_space<hbm>>) target(%arg9 : memref<128x128xf32, #tpu.memory_space<vmem>>) offsets(%arg7 : memref<128xi32, #tpu.memory_space<vmem>>) semaphore(%arg11 : memref<!tpu.dma_semaphore, #tpu.memory_space<semaphore_mem>>)
    %dma_start3A_66 = arith.constant 0 : i32
    %dma_start3A_67 = arith.constant 0 : i32
    %dma_start3A_68 = tpu.memref_slice %arg4[%dma_start3A_66, %dma_start3A_67] : memref<102400x128xf32, #tpu.memory_space<hbm>> -> memref<102400x128xf32, #tpu.memory_space<hbm>>
    tpu.enqueue_indirect_dma source(%dma_start3A_68 : memref<102400x128xf32, #tpu.memory_space<hbm>>) target(%arg10 : memref<128x128xf32, #tpu.memory_space<vmem>>) offsets(%arg8 : memref<128xi32, #tpu.memory_space<vmem>>) semaphore(%arg11 : memref<!tpu.dma_semaphore, #tpu.memory_space<semaphore_mem>>)
    %dma_wait3A_69 = arith.constant 0 : i32
    %dma_wait3A_70 = arith.constant 0 : i32
    %dma_wait3A_71 = tpu.memref_slice %arg4[%dma_wait3A_69, %dma_wait3A_70] : memref<102400x128xf32, #tpu.memory_space<hbm>> -> memref<102400x128xf32, #tpu.memory_space<hbm>>
    tpu.wait_indirect_dma semaphore(%arg11 : memref<!tpu.dma_semaphore, #tpu.memory_space<semaphore_mem>>) src(%dma_wait3A_71 : memref<102400x128xf32, #tpu.memory_space<hbm>>) dst(%arg9 : memref<128x128xf32, #tpu.memory_space<vmem>>)
    %dma_start3A_72 = arith.constant 0 : i32
    %dma_start3A_73 = tpu.memref_slice %arg5[%add3A_62, %dma_start3A_72] : memref<16384x128xf32, #tpu.memory_space<hbm>> -> memref<128x128xf32, #tpu.memory_space<hbm>>
    %dma_start3A_74 = arith.constant 0 : i32
    %dma_start3A_75 = tpu.memref_slice %arg5[%add3A_62, %dma_start3A_74] : memref<16384x128xf32, #tpu.memory_space<hbm>> -> memref<128x128xf32, #tpu.memory_space<hbm>>
    tpu.enqueue_dma source(%arg9 : memref<128x128xf32, #tpu.memory_space<vmem>>) target(%dma_start3A_75 : memref<128x128xf32, #tpu.memory_space<hbm>>) target_semaphore(%arg12 : memref<!tpu.dma_semaphore, #tpu.memory_space<semaphore_mem>>)
    %dma_wait3A_76 = arith.constant 0 : i32
    %dma_wait3A_77 = arith.constant 0 : i32
    %dma_wait3A_78 = tpu.memref_slice %arg4[%dma_wait3A_76, %dma_wait3A_77] : memref<102400x128xf32, #tpu.memory_space<hbm>> -> memref<102400x128xf32, #tpu.memory_space<hbm>>
    tpu.wait_indirect_dma semaphore(%arg11 : memref<!tpu.dma_semaphore, #tpu.memory_space<semaphore_mem>>) src(%dma_wait3A_78 : memref<102400x128xf32, #tpu.memory_space<hbm>>) dst(%arg10 : memref<128x128xf32, #tpu.memory_space<vmem>>)
    %dma_start3A_79 = arith.constant 0 : i32
    %dma_start3A_80 = tpu.memref_slice %arg6[%add3A_62, %dma_start3A_79] : memref<16384x128xf32, #tpu.memory_space<hbm>> -> memref<128x128xf32, #tpu.memory_space<hbm>>
    %dma_start3A_81 = arith.constant 0 : i32
    %dma_start3A_82 = tpu.memref_slice %arg6[%add3A_62, %dma_start3A_81] : memref<16384x128xf32, #tpu.memory_space<hbm>> -> memref<128x128xf32, #tpu.memory_space<hbm>>
    tpu.enqueue_dma source(%arg10 : memref<128x128xf32, #tpu.memory_space<vmem>>) target(%dma_start3A_82 : memref<128x128xf32, #tpu.memory_space<hbm>>) target_semaphore(%arg12 : memref<!tpu.dma_semaphore, #tpu.memory_space<semaphore_mem>>)
    %dma_wait3A_83 = arith.constant 0 : i32
    %dma_wait3A_84 = tpu.memref_slice %arg5[%add3A_62, %dma_wait3A_83] : memref<16384x128xf32, #tpu.memory_space<hbm>> -> memref<128x128xf32, #tpu.memory_space<hbm>>
    %dma_wait3A_85 = arith.constant 0 : i32
    %dma_wait3A_86 = tpu.memref_slice %arg5[%add3A_62, %dma_wait3A_85] : memref<16384x128xf32, #tpu.memory_space<hbm>> -> memref<128x128xf32, #tpu.memory_space<hbm>>
    tpu.wait_dma2 semaphore(%arg12 : memref<!tpu.dma_semaphore, #tpu.memory_space<semaphore_mem>>) src(%arg9 : memref<128x128xf32, #tpu.memory_space<vmem>>) dst(%dma_wait3A_86 : memref<128x128xf32, #tpu.memory_space<hbm>>)
    %dma_wait3A_87 = arith.constant 0 : i32
    %dma_wait3A_88 = tpu.memref_slice %arg6[%add3A_62, %dma_wait3A_87] : memref<16384x128xf32, #tpu.memory_space<hbm>> -> memref<128x128xf32, #tpu.memory_space<hbm>>
    %dma_wait3A_89 = arith.constant 0 : i32
    %dma_wait3A_90 = tpu.memref_slice %arg6[%add3A_62, %dma_wait3A_89] : memref<16384x128xf32, #tpu.memory_space<hbm>> -> memref<128x128xf32, #tpu.memory_space<hbm>>
    tpu.wait_dma2 semaphore(%arg12 : memref<!tpu.dma_semaphore, #tpu.memory_space<semaphore_mem>>) src(%arg10 : memref<128x128xf32, #tpu.memory_space<vmem>>) dst(%dma_wait3A_90 : memref<128x128xf32, #tpu.memory_space<hbm>>)
    %add3A_91 = arith.constant 384 : i32
    %add3A_92 = arith.addi %mul3A_2, %add3A_91 : i32
    "tpu.region"() ({
      %run_scoped3A = tpu.sem_alloc : memref<!tpu.dma_semaphore, #tpu.memory_space<semaphore_mem>>
      %dma_start3A_121 = tpu.memref_slice %arg2[%add3A_92] : memref<16384xi32, #tpu.memory_space<hbm>> -> memref<128xi32, #tpu.memory_space<hbm>>
      %dma_start3A_122 = tpu.memref_slice %arg2[%add3A_92] : memref<16384xi32, #tpu.memory_space<hbm>> -> memref<128xi32, #tpu.memory_space<hbm>>
      tpu.enqueue_dma source(%dma_start3A_122 : memref<128xi32, #tpu.memory_space<hbm>>) target(%arg7 : memref<128xi32, #tpu.memory_space<vmem>>) target_semaphore(%run_scoped3A : memref<!tpu.dma_semaphore, #tpu.memory_space<semaphore_mem>>)
      %dma_wait3A_123 = tpu.memref_slice %arg2[%add3A_92] : memref<16384xi32, #tpu.memory_space<hbm>> -> memref<128xi32, #tpu.memory_space<hbm>>
      %dma_wait3A_124 = tpu.memref_slice %arg2[%add3A_92] : memref<16384xi32, #tpu.memory_space<hbm>> -> memref<128xi32, #tpu.memory_space<hbm>>
      tpu.wait_dma2 semaphore(%run_scoped3A : memref<!tpu.dma_semaphore, #tpu.memory_space<semaphore_mem>>) src(%dma_wait3A_124 : memref<128xi32, #tpu.memory_space<hbm>>) dst(%arg7 : memref<128xi32, #tpu.memory_space<vmem>>)
      tpu.yield
    }) : () -> ()
    "tpu.region"() ({
      %run_scoped3A = tpu.sem_alloc : memref<!tpu.dma_semaphore, #tpu.memory_space<semaphore_mem>>
      %dma_start3A_121 = tpu.memref_slice %arg3[%add3A_92] : memref<16384xi32, #tpu.memory_space<hbm>> -> memref<128xi32, #tpu.memory_space<hbm>>
      %dma_start3A_122 = tpu.memref_slice %arg3[%add3A_92] : memref<16384xi32, #tpu.memory_space<hbm>> -> memref<128xi32, #tpu.memory_space<hbm>>
      tpu.enqueue_dma source(%dma_start3A_122 : memref<128xi32, #tpu.memory_space<hbm>>) target(%arg8 : memref<128xi32, #tpu.memory_space<vmem>>) target_semaphore(%run_scoped3A : memref<!tpu.dma_semaphore, #tpu.memory_space<semaphore_mem>>)
      %dma_wait3A_123 = tpu.memref_slice %arg3[%add3A_92] : memref<16384xi32, #tpu.memory_space<hbm>> -> memref<128xi32, #tpu.memory_space<hbm>>
      %dma_wait3A_124 = tpu.memref_slice %arg3[%add3A_92] : memref<16384xi32, #tpu.memory_space<hbm>> -> memref<128xi32, #tpu.memory_space<hbm>>
      tpu.wait_dma2 semaphore(%run_scoped3A : memref<!tpu.dma_semaphore, #tpu.memory_space<semaphore_mem>>) src(%dma_wait3A_124 : memref<128xi32, #tpu.memory_space<hbm>>) dst(%arg8 : memref<128xi32, #tpu.memory_space<vmem>>)
      tpu.yield
    }) : () -> ()
    %dma_start3A_93 = arith.constant 0 : i32
    %dma_start3A_94 = arith.constant 0 : i32
    %dma_start3A_95 = tpu.memref_slice %arg4[%dma_start3A_93, %dma_start3A_94] : memref<102400x128xf32, #tpu.memory_space<hbm>> -> memref<102400x128xf32, #tpu.memory_space<hbm>>
    tpu.enqueue_indirect_dma source(%dma_start3A_95 : memref<102400x128xf32, #tpu.memory_space<hbm>>) target(%arg9 : memref<128x128xf32, #tpu.memory_space<vmem>>) offsets(%arg7 : memref<128xi32, #tpu.memory_space<vmem>>) semaphore(%arg11 : memref<!tpu.dma_semaphore, #tpu.memory_space<semaphore_mem>>)
    %dma_start3A_96 = arith.constant 0 : i32
    %dma_start3A_97 = arith.constant 0 : i32
    %dma_start3A_98 = tpu.memref_slice %arg4[%dma_start3A_96, %dma_start3A_97] : memref<102400x128xf32, #tpu.memory_space<hbm>> -> memref<102400x128xf32, #tpu.memory_space<hbm>>
    tpu.enqueue_indirect_dma source(%dma_start3A_98 : memref<102400x128xf32, #tpu.memory_space<hbm>>) target(%arg10 : memref<128x128xf32, #tpu.memory_space<vmem>>) offsets(%arg8 : memref<128xi32, #tpu.memory_space<vmem>>) semaphore(%arg11 : memref<!tpu.dma_semaphore, #tpu.memory_space<semaphore_mem>>)
    %dma_wait3A_99 = arith.constant 0 : i32
    %dma_wait3A_100 = arith.constant 0 : i32
    %dma_wait3A_101 = tpu.memref_slice %arg4[%dma_wait3A_99, %dma_wait3A_100] : memref<102400x128xf32, #tpu.memory_space<hbm>> -> memref<102400x128xf32, #tpu.memory_space<hbm>>
    tpu.wait_indirect_dma semaphore(%arg11 : memref<!tpu.dma_semaphore, #tpu.memory_space<semaphore_mem>>) src(%dma_wait3A_101 : memref<102400x128xf32, #tpu.memory_space<hbm>>) dst(%arg9 : memref<128x128xf32, #tpu.memory_space<vmem>>)
    %dma_start3A_102 = arith.constant 0 : i32
    %dma_start3A_103 = tpu.memref_slice %arg5[%add3A_92, %dma_start3A_102] : memref<16384x128xf32, #tpu.memory_space<hbm>> -> memref<128x128xf32, #tpu.memory_space<hbm>>
    %dma_start3A_104 = arith.constant 0 : i32
    %dma_start3A_105 = tpu.memref_slice %arg5[%add3A_92, %dma_start3A_104] : memref<16384x128xf32, #tpu.memory_space<hbm>> -> memref<128x128xf32, #tpu.memory_space<hbm>>
    tpu.enqueue_dma source(%arg9 : memref<128x128xf32, #tpu.memory_space<vmem>>) target(%dma_start3A_105 : memref<128x128xf32, #tpu.memory_space<hbm>>) target_semaphore(%arg12 : memref<!tpu.dma_semaphore, #tpu.memory_space<semaphore_mem>>)
    %dma_wait3A_106 = arith.constant 0 : i32
    %dma_wait3A_107 = arith.constant 0 : i32
    %dma_wait3A_108 = tpu.memref_slice %arg4[%dma_wait3A_106, %dma_wait3A_107] : memref<102400x128xf32, #tpu.memory_space<hbm>> -> memref<102400x128xf32, #tpu.memory_space<hbm>>
    tpu.wait_indirect_dma semaphore(%arg11 : memref<!tpu.dma_semaphore, #tpu.memory_space<semaphore_mem>>) src(%dma_wait3A_108 : memref<102400x128xf32, #tpu.memory_space<hbm>>) dst(%arg10 : memref<128x128xf32, #tpu.memory_space<vmem>>)
    %dma_start3A_109 = arith.constant 0 : i32
    %dma_start3A_110 = tpu.memref_slice %arg6[%add3A_92, %dma_start3A_109] : memref<16384x128xf32, #tpu.memory_space<hbm>> -> memref<128x128xf32, #tpu.memory_space<hbm>>
    %dma_start3A_111 = arith.constant 0 : i32
    %dma_start3A_112 = tpu.memref_slice %arg6[%add3A_92, %dma_start3A_111] : memref<16384x128xf32, #tpu.memory_space<hbm>> -> memref<128x128xf32, #tpu.memory_space<hbm>>
    tpu.enqueue_dma source(%arg10 : memref<128x128xf32, #tpu.memory_space<vmem>>) target(%dma_start3A_112 : memref<128x128xf32, #tpu.memory_space<hbm>>) target_semaphore(%arg12 : memref<!tpu.dma_semaphore, #tpu.memory_space<semaphore_mem>>)
    %dma_wait3A_113 = arith.constant 0 : i32
    %dma_wait3A_114 = tpu.memref_slice %arg5[%add3A_92, %dma_wait3A_113] : memref<16384x128xf32, #tpu.memory_space<hbm>> -> memref<128x128xf32, #tpu.memory_space<hbm>>
    %dma_wait3A_115 = arith.constant 0 : i32
    %dma_wait3A_116 = tpu.memref_slice %arg5[%add3A_92, %dma_wait3A_115] : memref<16384x128xf32, #tpu.memory_space<hbm>> -> memref<128x128xf32, #tpu.memory_space<hbm>>
    tpu.wait_dma2 semaphore(%arg12 : memref<!tpu.dma_semaphore, #tpu.memory_space<semaphore_mem>>) src(%arg9 : memref<128x128xf32, #tpu.memory_space<vmem>>) dst(%dma_wait3A_116 : memref<128x128xf32, #tpu.memory_space<hbm>>)
    %dma_wait3A_117 = arith.constant 0 : i32
    %dma_wait3A_118 = tpu.memref_slice %arg6[%add3A_92, %dma_wait3A_117] : memref<16384x128xf32, #tpu.memory_space<hbm>> -> memref<128x128xf32, #tpu.memory_space<hbm>>
    %dma_wait3A_119 = arith.constant 0 : i32
    %dma_wait3A_120 = tpu.memref_slice %arg6[%add3A_92, %dma_wait3A_119] : memref<16384x128xf32, #tpu.memory_space<hbm>> -> memref<128x128xf32, #tpu.memory_space<hbm>>
    tpu.wait_dma2 semaphore(%arg12 : memref<!tpu.dma_semaphore, #tpu.memory_space<semaphore_mem>>) src(%arg10 : memref<128x128xf32, #tpu.memory_space<vmem>>) dst(%dma_wait3A_120 : memref<128x128xf32, #tpu.memory_space<hbm>>)
    return
  }
}

module attributes {stable_mosaic.version = 14 : i64} {
  func.func @_repack_body(%arg0: i32, %arg1: memref<64x4096xf32, #tpu.memory_space<vmem>>, %arg2: memref<64x4096xf32, #tpu.memory_space<vmem>>, %arg3: memref<4096x128xf32, #tpu.memory_space<vmem>>) attributes {dimension_semantics = [#tpu.dimension_semantics<arbitrary>], iteration_bounds = array<i64: 25>, scalar_prefetch = 0 : i64, scratch_operands = 0 : i64, tpu.core_type = #tpu.core_type<tc>, window_params = [{transform_indices = @transform_0, window_bounds = array<i64: 64, 4096>}, {transform_indices = @transform_1, window_bounds = array<i64: 64, 4096>}, {transform_indices = @transform_2, window_bounds = array<i64: 4096, 128>}]} {
    %get3A = arith.constant 0 : index
    %get3A_0 = arith.constant 0 : index
    %get3A_1 = vector.load %arg1[%get3A, %get3A_0] : memref<64x4096xf32, #tpu.memory_space<vmem>>, vector<64x4096xf32>
    %get3A_2 = arith.constant 0 : index
    %get3A_3 = arith.constant 0 : index
    %get3A_4 = vector.load %arg2[%get3A_2, %get3A_3] : memref<64x4096xf32, #tpu.memory_space<vmem>>, vector<64x4096xf32>
    %concatenate3A = tpu.concatenate %get3A_1, %get3A_4 in 0 : vector<64x4096xf32>, vector<64x4096xf32> -> vector<128x4096xf32>
    %transpose3A = tpu.transpose %concatenate3A, [1, 0] : vector<128x4096xf32> -> vector<4096x128xf32>
    %swap3A = arith.constant 0 : index
    %swap3A_5 = arith.constant 0 : index
    %swap3A_6 = vector.load %arg3[%swap3A, %swap3A_5] : memref<4096x128xf32, #tpu.memory_space<vmem>>, vector<4096x128xf32>
    tpu.vector_store %arg3[%swap3A, %swap3A_5], %transpose3A {strides = array<i32>} : memref<4096x128xf32, #tpu.memory_space<vmem>>, vector<4096x128xf32>,
    return
  }
  func.func @transform_0(%arg0: i32) -> (i32, i32) {
    %c0_i32 = arith.constant 0 : i32
    %c0_i32_0 = arith.constant 0 : i32
    return %c0_i32, %arg0 : i32, i32
  }
  func.func @transform_1(%arg0: i32) -> (i32, i32) {
    %c0_i32 = arith.constant 0 : i32
    %c0_i32_0 = arith.constant 0 : i32
    return %c0_i32, %arg0 : i32, i32
  }
  func.func @transform_2(%arg0: i32) -> (i32, i32) {
    %c0_i32 = arith.constant 0 : i32
    %c0_i32_0 = arith.constant 0 : i32
    return %arg0, %c0_i32 : i32, i32
  }
}

module attributes {stable_mosaic.version = 14 : i64} {
  func.func @_repack_body(%arg0: i32, %arg1: memref<64x4096xf32, #tpu.memory_space<vmem>>, %arg2: memref<64x4096xf32, #tpu.memory_space<vmem>>, %arg3: memref<64x4096xf32, #tpu.memory_space<vmem>>, %arg4: memref<64x4096xf32, #tpu.memory_space<vmem>>, %arg5: memref<4096x128xf32, #tpu.memory_space<vmem>>, %arg6: memref<4096x128xf32, #tpu.memory_space<vmem>>) attributes {dimension_semantics = [#tpu.dimension_semantics<arbitrary>], iteration_bounds = array<i64: 25>, scalar_prefetch = 0 : i64, scratch_operands = 0 : i64, tpu.core_type = #tpu.core_type<tc>, window_params = [{transform_indices = @transform_0, window_bounds = array<i64: 64, 4096>}, {transform_indices = @transform_1, window_bounds = array<i64: 64, 4096>}, {transform_indices = @transform_2, window_bounds = array<i64: 64, 4096>}, {transform_indices = @transform_3, window_bounds = array<i64: 64, 4096>}, {transform_indices = @transform_4, window_bounds = array<i64: 4096, 128>}, {transform_indices = @transform_5, window_bounds = array<i64: 4096, 128>}]} {
    %get3A = arith.constant 0 : index
    %get3A_0 = arith.constant 0 : index
    %get3A_1 = vector.load %arg1[%get3A, %get3A_0] : memref<64x4096xf32, #tpu.memory_space<vmem>>, vector<64x4096xf32>
    %get3A_2 = arith.constant 0 : index
    %get3A_3 = arith.constant 0 : index
    %get3A_4 = vector.load %arg2[%get3A_2, %get3A_3] : memref<64x4096xf32, #tpu.memory_space<vmem>>, vector<64x4096xf32>
    %concatenate3A = tpu.concatenate %get3A_1, %get3A_4 in 0 : vector<64x4096xf32>, vector<64x4096xf32> -> vector<128x4096xf32>
    %transpose3A = tpu.transpose %concatenate3A, [1, 0] : vector<128x4096xf32> -> vector<4096x128xf32>
    %swap3A = arith.constant 0 : index
    %swap3A_5 = arith.constant 0 : index
    %swap3A_6 = vector.load %arg5[%swap3A, %swap3A_5] : memref<4096x128xf32, #tpu.memory_space<vmem>>, vector<4096x128xf32>
    tpu.vector_store %arg5[%swap3A, %swap3A_5], %transpose3A {strides = array<i32>} : memref<4096x128xf32, #tpu.memory_space<vmem>>, vector<4096x128xf32>,
    %get3A_7 = arith.constant 0 : index
    %get3A_8 = arith.constant 0 : index
    %get3A_9 = vector.load %arg3[%get3A_7, %get3A_8] : memref<64x4096xf32, #tpu.memory_space<vmem>>, vector<64x4096xf32>
    %get3A_10 = arith.constant 0 : index
    %get3A_11 = arith.constant 0 : index
    %get3A_12 = vector.load %arg4[%get3A_10, %get3A_11] : memref<64x4096xf32, #tpu.memory_space<vmem>>, vector<64x4096xf32>
    %concatenate3A_13 = tpu.concatenate %get3A_9, %get3A_12 in 0 : vector<64x4096xf32>, vector<64x4096xf32> -> vector<128x4096xf32>
    %transpose3A_14 = tpu.transpose %concatenate3A_13, [1, 0] : vector<128x4096xf32> -> vector<4096x128xf32>
    %swap3A_15 = arith.constant 0 : index
    %swap3A_16 = arith.constant 0 : index
    %swap3A_17 = vector.load %arg6[%swap3A_15, %swap3A_16] : memref<4096x128xf32, #tpu.memory_space<vmem>>, vector<4096x128xf32>
    tpu.vector_store %arg6[%swap3A_15, %swap3A_16], %transpose3A_14 {strides = array<i32>} : memref<4096x128xf32, #tpu.memory_space<vmem>>, vector<4096x128xf32>,
    return
  }
  func.func @transform_0(%arg0: i32) -> (i32, i32) {
    %c0_i32 = arith.constant 0 : i32
    %c0_i32_0 = arith.constant 0 : i32
    return %c0_i32, %arg0 : i32, i32
  }
  func.func @transform_1(%arg0: i32) -> (i32, i32) {
    %c0_i32 = arith.constant 0 : i32
    %c0_i32_0 = arith.constant 0 : i32
    return %c0_i32, %arg0 : i32, i32
  }
  func.func @transform_2(%arg0: i32) -> (i32, i32) {
    %c0_i32 = arith.constant 0 : i32
    %c0_i32_0 = arith.constant 0 : i32
    return %c0_i32, %arg0 : i32, i32
  }
  func.func @transform_3(%arg0: i32) -> (i32, i32) {
    %c0_i32 = arith.constant 0 : i32
    %c0_i32_0 = arith.constant 0 : i32
    return %c0_i32, %arg0 : i32, i32
  }
  func.func @transform_4(%arg0: i32) -> (i32, i32) {
    %c0_i32 = arith.constant 0 : i32
    %c0_i32_0 = arith.constant 0 : i32
    return %arg0, %c0_i32 : i32, i32
  }
  func.func @transform_5(%arg0: i32) -> (i32, i32) {
    %c0_i32 = arith.constant 0 : i32
    %c0_i32_0 = arith.constant 0 : i32
    return %arg0, %c0_i32 : i32, i32
  }
}

module attributes {stable_mosaic.version = 14 : i64} {
  func.func @_tc_body(%arg0: i32, %arg1: memref<4096x128xf32, #tpu.memory_space<vmem>>, %arg2: memref<4096x128xf32, #tpu.memory_space<vmem>>, %arg3: memref<4096x128xf32, #tpu.memory_space<vmem>>, %arg4: memref<4096x128xf32, #tpu.memory_space<vmem>>, %arg5: memref<4096x1xf32, #tpu.memory_space<vmem>>, %arg6: memref<3x64xf32, #tpu.memory_space<vmem>>, %arg7: memref<1x3xf32, #tpu.memory_space<vmem>>, %arg8: memref<1x3xf32, #tpu.memory_space<vmem>>, %arg9: memref<1x3xf32, #tpu.memory_space<vmem>>, %arg10: memref<1x3xf32, #tpu.memory_space<vmem>>, %arg11: memref<1x3xf32, #tpu.memory_space<vmem>>, %arg12: memref<1x3xf32, #tpu.memory_space<vmem>>, %arg13: memref<4096x1xf32, #tpu.memory_space<vmem>>) attributes {dimension_semantics = [#tpu.dimension_semantics<arbitrary>], iteration_bounds = array<i64: 4>, scalar_prefetch = 0 : i64, scratch_operands = 0 : i64, tpu.core_type = #tpu.core_type<tc>, window_params = [{transform_indices = @transform_0, window_bounds = array<i64: 4096, 128>}, {transform_indices = @transform_1, window_bounds = array<i64: 4096, 128>}, {transform_indices = @transform_2, window_bounds = array<i64: 4096, 128>}, {transform_indices = @transform_3, window_bounds = array<i64: 4096, 128>}, {transform_indices = @transform_4, window_bounds = array<i64: 4096, 1>}, {pipeline_mode = #tpu.pipeline_mode<synchronous>, transform_indices = @transform_5, window_bounds = array<i64: 3, 64>}, {pipeline_mode = #tpu.pipeline_mode<synchronous>, transform_indices = @transform_6, window_bounds = array<i64: 1, 3>}, {pipeline_mode = #tpu.pipeline_mode<synchronous>, transform_indices = @transform_7, window_bounds = array<i64: 1, 3>}, {pipeline_mode = #tpu.pipeline_mode<synchronous>, transform_indices = @transform_8, window_bounds = array<i64: 1, 3>}, {pipeline_mode = #tpu.pipeline_mode<synchronous>, transform_indices = @transform_9, window_bounds = array<i64: 1, 3>}, {pipeline_mode = #tpu.pipeline_mode<synchronous>, transform_indices = @transform_10, window_bounds = array<i64: 1, 3>}, {pipeline_mode = #tpu.pipeline_mode<synchronous>, transform_indices = @transform_11, window_bounds = array<i64: 1, 3>}, {transform_indices = @transform_12, window_bounds = array<i64: 4096, 1>}]} {
    %get3A = arith.constant 0 : index
    %get3A_0 = arith.constant 0 : index
    %get3A_1 = vector.load %arg1[%get3A, %get3A_0] : memref<4096x128xf32, #tpu.memory_space<vmem>>, vector<4096x128xf32>
    %get3A_2 = arith.constant 0 : index
    %get3A_3 = arith.constant 0 : index
    %get3A_4 = vector.load %arg2[%get3A_2, %get3A_3] : memref<4096x128xf32, #tpu.memory_space<vmem>>, vector<4096x128xf32>
    %get3A_5 = arith.constant 0 : index
    %get3A_6 = arith.constant 0 : index
    %get3A_7 = vector.load %arg3[%get3A_5, %get3A_6] : memref<4096x128xf32, #tpu.memory_space<vmem>>, vector<4096x128xf32>
    %get3A_8 = arith.constant 0 : index
    %get3A_9 = arith.constant 0 : index
    %get3A_10 = vector.load %arg4[%get3A_8, %get3A_9] : memref<4096x128xf32, #tpu.memory_space<vmem>>, vector<4096x128xf32>
    %get3A_11 = arith.constant 0 : index
    %get3A_12 = arith.constant 0 : index
    %get3A_13 = vector.load %arg5[%get3A_11, %get3A_12] : memref<4096x1xf32, #tpu.memory_space<vmem>>, vector<4096x1xf32>
    %get3A_14 = arith.constant 0 : index
    %get3A_15 = arith.constant 0 : index
    %get3A_16 = vector.load %arg7[%get3A_14, %get3A_15] : memref<1x3xf32, #tpu.memory_space<vmem>>, vector<1x3xf32>
    %mul3A = vector.broadcast %get3A_13 : vector<4096x1xf32> to vector<4096x3xf32>
    %mul3A_17 = vector.broadcast %get3A_16 : vector<1x3xf32> to vector<4096x3xf32>
    %mul3A_18 = arith.mulf %mul3A, %mul3A_17 : vector<4096x3xf32>
    %get3A_19 = arith.constant 0 : index
    %get3A_20 = arith.constant 0 : index
    %get3A_21 = vector.load %arg8[%get3A_19, %get3A_20] : memref<1x3xf32, #tpu.memory_space<vmem>>, vector<1x3xf32>
    %add3A = vector.broadcast %get3A_21 : vector<1x3xf32> to vector<4096x3xf32>
    %add3A_22 = arith.addf %mul3A_18, %add3A : vector<4096x3xf32>
    %max3A = arith.constant 0.000000e+00 : f32
    %max3A_23 = vector.broadcast %max3A : f32 to vector<4096x3xf32>
    %max3A_24 = arith.maximumf %add3A_22, %max3A_23 : vector<4096x3xf32>
    %get3A_25 = arith.constant 0 : index
    %get3A_26 = arith.constant 0 : index
    %get3A_27 = vector.load %arg12[%get3A_25, %get3A_26] : memref<1x3xf32, #tpu.memory_space<vmem>>, vector<1x3xf32>
    %slice3A = vector.extract_strided_slice %max3A_24 {offsets = [0, 0], sizes = [4096, 1], strides = [1, 1]} : vector<4096x3xf32> to vector<4096x1xf32>
    %get3A_28 = arith.constant 0 : index
    %get3A_29 = arith.constant 0 : index
    %get3A_30 = vector.load %arg9[%get3A_28, %get3A_29] : memref<1x3xf32, #tpu.memory_space<vmem>>, vector<1x3xf32>
    %mul3A_31 = vector.broadcast %slice3A : vector<4096x1xf32> to vector<4096x3xf32>
    %mul3A_32 = vector.broadcast %get3A_30 : vector<1x3xf32> to vector<4096x3xf32>
    %mul3A_33 = arith.mulf %mul3A_31, %mul3A_32 : vector<4096x3xf32>
    %add3A_34 = vector.broadcast %get3A_27 : vector<1x3xf32> to vector<4096x3xf32>
    %add3A_35 = arith.addf %add3A_34, %mul3A_33 : vector<4096x3xf32>
    %slice3A_36 = vector.extract_strided_slice %max3A_24 {offsets = [0, 1], sizes = [4096, 1], strides = [1, 1]} : vector<4096x3xf32> to vector<4096x1xf32>
    %get3A_37 = arith.constant 0 : index
    %get3A_38 = arith.constant 0 : index
    %get3A_39 = vector.load %arg10[%get3A_37, %get3A_38] : memref<1x3xf32, #tpu.memory_space<vmem>>, vector<1x3xf32>
    %mul3A_40 = vector.broadcast %slice3A_36 : vector<4096x1xf32> to vector<4096x3xf32>
    %mul3A_41 = vector.broadcast %get3A_39 : vector<1x3xf32> to vector<4096x3xf32>
    %mul3A_42 = arith.mulf %mul3A_40, %mul3A_41 : vector<4096x3xf32>
    %add3A_43 = arith.addf %add3A_35, %mul3A_42 : vector<4096x3xf32>
    %slice3A_44 = vector.extract_strided_slice %max3A_24 {offsets = [0, 2], sizes = [4096, 1], strides = [1, 1]} : vector<4096x3xf32> to vector<4096x1xf32>
    %get3A_45 = arith.constant 0 : index
    %get3A_46 = arith.constant 0 : index
    %get3A_47 = vector.load %arg11[%get3A_45, %get3A_46] : memref<1x3xf32, #tpu.memory_space<vmem>>, vector<1x3xf32>
    %mul3A_48 = vector.broadcast %slice3A_44 : vector<4096x1xf32> to vector<4096x3xf32>
    %mul3A_49 = vector.broadcast %get3A_47 : vector<1x3xf32> to vector<4096x3xf32>
    %mul3A_50 = arith.mulf %mul3A_48, %mul3A_49 : vector<4096x3xf32>
    %add3A_51 = arith.addf %add3A_43, %mul3A_50 : vector<4096x3xf32>
    %neg3A = arith.constant 0.000000e+00 : f32
    %neg3A_52 = vector.broadcast %neg3A : f32 to vector<4096x3xf32>
    %neg3A_53 = arith.subf %neg3A_52, %add3A_51 : vector<4096x3xf32>
    %exp3A = math.exp %neg3A_53 : vector<4096x3xf32>
    %add3A_54 = arith.constant 1.000000e+00 : f32
    %add3A_55 = vector.broadcast %add3A_54 : f32 to vector<4096x3xf32>
    %add3A_56 = arith.addf %add3A_55, %exp3A : vector<4096x3xf32>
    %div3A = arith.constant 1.000000e+00 : f32
    %div3A_57 = vector.broadcast %div3A : f32 to vector<4096x3xf32>
    %div3A_58 = arith.divf %div3A_57, %add3A_56 : vector<4096x3xf32>
    %get3A_59 = arith.constant 0 : index
    %get3A_60 = arith.constant 0 : index
    %get3A_61 = vector.load %arg6[%get3A_59, %get3A_60] : memref<3x64xf32, #tpu.memory_space<vmem>>, vector<3x64xf32>
    %slice3A_62 = vector.extract_strided_slice %div3A_58 {offsets = [0, 0], sizes = [4096, 1], strides = [1, 1]} : vector<4096x3xf32> to vector<4096x1xf32>
    %slice3A_63 = vector.extract_strided_slice %get3A_61 {offsets = [0, 0], sizes = [1, 64], strides = [1, 1]} : vector<3x64xf32> to vector<1x64xf32>
    %mul3A_64 = vector.broadcast %slice3A_62 : vector<4096x1xf32> to vector<4096x64xf32>
    %mul3A_65 = vector.broadcast %slice3A_63 : vector<1x64xf32> to vector<4096x64xf32>
    %mul3A_66 = arith.mulf %mul3A_64, %mul3A_65 : vector<4096x64xf32>
    %slice3A_67 = vector.extract_strided_slice %div3A_58 {offsets = [0, 1], sizes = [4096, 1], strides = [1, 1]} : vector<4096x3xf32> to vector<4096x1xf32>
    %slice3A_68 = vector.extract_strided_slice %get3A_61 {offsets = [1, 0], sizes = [1, 64], strides = [1, 1]} : vector<3x64xf32> to vector<1x64xf32>
    %mul3A_69 = vector.broadcast %slice3A_67 : vector<4096x1xf32> to vector<4096x64xf32>
    %mul3A_70 = vector.broadcast %slice3A_68 : vector<1x64xf32> to vector<4096x64xf32>
    %mul3A_71 = arith.mulf %mul3A_69, %mul3A_70 : vector<4096x64xf32>
    %add3A_72 = arith.addf %mul3A_66, %mul3A_71 : vector<4096x64xf32>
    %slice3A_73 = vector.extract_strided_slice %div3A_58 {offsets = [0, 2], sizes = [4096, 1], strides = [1, 1]} : vector<4096x3xf32> to vector<4096x1xf32>
    %slice3A_74 = vector.extract_strided_slice %get3A_61 {offsets = [2, 0], sizes = [1, 64], strides = [1, 1]} : vector<3x64xf32> to vector<1x64xf32>
    %mul3A_75 = vector.broadcast %slice3A_73 : vector<4096x1xf32> to vector<4096x64xf32>
    %mul3A_76 = vector.broadcast %slice3A_74 : vector<1x64xf32> to vector<4096x64xf32>
    %mul3A_77 = arith.mulf %mul3A_75, %mul3A_76 : vector<4096x64xf32>
    %add3A_78 = arith.addf %add3A_72, %mul3A_77 : vector<4096x64xf32>
    %slice3A_79 = vector.extract_strided_slice %get3A_1 {offsets = [0, 0], sizes = [4096, 64], strides = [1, 1]} : vector<4096x128xf32> to vector<4096x64xf32>
    %slice3A_80 = vector.extract_strided_slice %get3A_1 {offsets = [0, 64], sizes = [4096, 64], strides = [1, 1]} : vector<4096x128xf32> to vector<4096x64xf32>
    %exp3A_81 = math.exp %slice3A_80 : vector<4096x64xf32>
    %slice3A_82 = vector.extract_strided_slice %get3A_7 {offsets = [0, 0], sizes = [4096, 64], strides = [1, 1]} : vector<4096x128xf32> to vector<4096x64xf32>
    %slice3A_83 = vector.extract_strided_slice %get3A_7 {offsets = [0, 64], sizes = [4096, 64], strides = [1, 1]} : vector<4096x128xf32> to vector<4096x64xf32>
    %mul3A_84 = arith.mulf %slice3A_82, %add3A_78 : vector<4096x64xf32>
    %reduce_sum3A = arith.constant dense<0.000000e+00> : vector<4096xf32>
    %reduce_sum3A_85 = vector.multi_reduction <add>, %mul3A_84, %reduce_sum3A [1] : vector<4096x64xf32> to vector<4096xf32>
    %broadcast_in_dim3A = vector.shape_cast %reduce_sum3A_85 : vector<4096xf32> to vector<4096x1xf32>
    %mul3A_86 = vector.broadcast %broadcast_in_dim3A : vector<4096x1xf32> to vector<4096x64xf32>
    %mul3A_87 = arith.mulf %add3A_78, %mul3A_86 : vector<4096x64xf32>
    %sub3A = arith.subf %slice3A_82, %mul3A_87 : vector<4096x64xf32>
    %mul3A_88 = arith.mulf %slice3A_83, %add3A_78 : vector<4096x64xf32>
    %reduce_sum3A_89 = arith.constant dense<0.000000e+00> : vector<4096xf32>
    %reduce_sum3A_90 = vector.multi_reduction <add>, %mul3A_88, %reduce_sum3A_89 [1] : vector<4096x64xf32> to vector<4096xf32>
    %broadcast_in_dim3A_91 = vector.shape_cast %reduce_sum3A_90 : vector<4096xf32> to vector<4096x1xf32>
    %mul3A_92 = vector.broadcast %broadcast_in_dim3A_91 : vector<4096x1xf32> to vector<4096x64xf32>
    %mul3A_93 = arith.mulf %add3A_78, %mul3A_92 : vector<4096x64xf32>
    %sub3A_94 = arith.subf %slice3A_83, %mul3A_93 : vector<4096x64xf32>
    %add3A_95 = arith.addf %slice3A_79, %sub3A : vector<4096x64xf32>
    %mul3A_96 = arith.mulf %exp3A_81, %sub3A_94 : vector<4096x64xf32>
    %add3A_97 = arith.addf %add3A_95, %mul3A_96 : vector<4096x64xf32>
    %slice3A_98 = vector.extract_strided_slice %get3A_4 {offsets = [0, 0], sizes = [4096, 64], strides = [1, 1]} : vector<4096x128xf32> to vector<4096x64xf32>
    %slice3A_99 = vector.extract_strided_slice %get3A_4 {offsets = [0, 64], sizes = [4096, 64], strides = [1, 1]} : vector<4096x128xf32> to vector<4096x64xf32>
    %exp3A_100 = math.exp %slice3A_99 : vector<4096x64xf32>
    %slice3A_101 = vector.extract_strided_slice %get3A_10 {offsets = [0, 0], sizes = [4096, 64], strides = [1, 1]} : vector<4096x128xf32> to vector<4096x64xf32>
    %slice3A_102 = vector.extract_strided_slice %get3A_10 {offsets = [0, 64], sizes = [4096, 64], strides = [1, 1]} : vector<4096x128xf32> to vector<4096x64xf32>
    %mul3A_103 = arith.mulf %slice3A_101, %add3A_78 : vector<4096x64xf32>
    %reduce_sum3A_104 = arith.constant dense<0.000000e+00> : vector<4096xf32>
    %reduce_sum3A_105 = vector.multi_reduction <add>, %mul3A_103, %reduce_sum3A_104 [1] : vector<4096x64xf32> to vector<4096xf32>
    %broadcast_in_dim3A_106 = vector.shape_cast %reduce_sum3A_105 : vector<4096xf32> to vector<4096x1xf32>
    %mul3A_107 = vector.broadcast %broadcast_in_dim3A_106 : vector<4096x1xf32> to vector<4096x64xf32>
    %mul3A_108 = arith.mulf %add3A_78, %mul3A_107 : vector<4096x64xf32>
    %sub3A_109 = arith.subf %slice3A_101, %mul3A_108 : vector<4096x64xf32>
    %mul3A_110 = arith.mulf %slice3A_102, %add3A_78 : vector<4096x64xf32>
    %reduce_sum3A_111 = arith.constant dense<0.000000e+00> : vector<4096xf32>
    %reduce_sum3A_112 = vector.multi_reduction <add>, %mul3A_110, %reduce_sum3A_111 [1] : vector<4096x64xf32> to vector<4096xf32>
    %broadcast_in_dim3A_113 = vector.shape_cast %reduce_sum3A_112 : vector<4096xf32> to vector<4096x1xf32>
    %mul3A_114 = vector.broadcast %broadcast_in_dim3A_113 : vector<4096x1xf32> to vector<4096x64xf32>
    %mul3A_115 = arith.mulf %add3A_78, %mul3A_114 : vector<4096x64xf32>
    %sub3A_116 = arith.subf %slice3A_102, %mul3A_115 : vector<4096x64xf32>
    %add3A_117 = arith.addf %slice3A_98, %sub3A_109 : vector<4096x64xf32>
    %mul3A_118 = arith.mulf %exp3A_100, %sub3A_116 : vector<4096x64xf32>
    %add3A_119 = arith.addf %add3A_117, %mul3A_118 : vector<4096x64xf32>
    %max3A_120 = arith.maximumf %add3A_95, %add3A_117 : vector<4096x64xf32>
    %sub3A_121 = arith.subf %add3A_95, %add3A_117 : vector<4096x64xf32>
    %abs3A = math.absf %sub3A_121 : vector<4096x64xf32>
    %neg3A_122 = arith.constant 0.000000e+00 : f32
    %neg3A_123 = vector.broadcast %neg3A_122 : f32 to vector<4096x64xf32>
    %neg3A_124 = arith.subf %neg3A_123, %abs3A : vector<4096x64xf32>
    %exp3A_125 = math.exp %neg3A_124 : vector<4096x64xf32>
    %log1p3A = math.log1p %exp3A_125 : vector<4096x64xf32>
    %add3A_126 = arith.addf %max3A_120, %log1p3A : vector<4096x64xf32>
    %neg3A_127 = arith.constant 0.000000e+00 : f32
    %neg3A_128 = vector.broadcast %neg3A_127 : f32 to vector<4096x64xf32>
    %neg3A_129 = arith.subf %neg3A_128, %add3A_97 : vector<4096x64xf32>
    %neg3A_130 = arith.constant 0.000000e+00 : f32
    %neg3A_131 = vector.broadcast %neg3A_130 : f32 to vector<4096x64xf32>
    %neg3A_132 = arith.subf %neg3A_131, %add3A_119 : vector<4096x64xf32>
    %max3A_133 = arith.maximumf %neg3A_129, %neg3A_132 : vector<4096x64xf32>
    %sub3A_134 = arith.subf %neg3A_129, %neg3A_132 : vector<4096x64xf32>
    %abs3A_135 = math.absf %sub3A_134 : vector<4096x64xf32>
    %neg3A_136 = arith.constant 0.000000e+00 : f32
    %neg3A_137 = vector.broadcast %neg3A_136 : f32 to vector<4096x64xf32>
    %neg3A_138 = arith.subf %neg3A_137, %abs3A_135 : vector<4096x64xf32>
    %exp3A_139 = math.exp %neg3A_138 : vector<4096x64xf32>
    %log1p3A_140 = math.log1p %exp3A_139 : vector<4096x64xf32>
    %add3A_141 = arith.addf %max3A_133, %log1p3A_140 : vector<4096x64xf32>
    %neg3A_142 = arith.constant 0.000000e+00 : f32
    %neg3A_143 = vector.broadcast %neg3A_142 : f32 to vector<4096x64xf32>
    %neg3A_144 = arith.subf %neg3A_143, %add3A_141 : vector<4096x64xf32>
    %sub3A_145 = arith.subf %neg3A_144, %add3A_126 : vector<4096x64xf32>
    %sub3A_146 = arith.constant 1.15443134 : f32
    %sub3A_147 = vector.broadcast %sub3A_146 : f32 to vector<4096x64xf32>
    %sub3A_148 = arith.subf %sub3A_145, %sub3A_147 : vector<4096x64xf32>
    %max3A_149 = arith.constant 0.000000e+00 : f32
    %max3A_150 = vector.broadcast %max3A_149 : f32 to vector<4096x64xf32>
    %max3A_151 = arith.maximumf %sub3A_148, %max3A_150 : vector<4096x64xf32>
    %abs3A_152 = math.absf %sub3A_148 : vector<4096x64xf32>
    %neg3A_153 = arith.constant 0.000000e+00 : f32
    %neg3A_154 = vector.broadcast %neg3A_153 : f32 to vector<4096x64xf32>
    %neg3A_155 = arith.subf %neg3A_154, %abs3A_152 : vector<4096x64xf32>
    %exp3A_156 = math.exp %neg3A_155 : vector<4096x64xf32>
    %log1p3A_157 = math.log1p %exp3A_156 : vector<4096x64xf32>
    %add3A_158 = arith.addf %max3A_151, %log1p3A_157 : vector<4096x64xf32>
    %max3A_159 = arith.constant 1.17549435E-38 : f32
    %max3A_160 = vector.broadcast %max3A_159 : f32 to vector<4096x64xf32>
    %max3A_161 = arith.maximumf %add3A_158, %max3A_160 : vector<4096x64xf32>
    %log3A = math.log %max3A_161 : vector<4096x64xf32>
    %reduce_sum3A_162 = arith.constant dense<0.000000e+00> : vector<4096xf32>
    %reduce_sum3A_163 = vector.multi_reduction <add>, %log3A, %reduce_sum3A_162 [1] : vector<4096x64xf32> to vector<4096xf32>
    %broadcast_in_dim3A_164 = vector.shape_cast %reduce_sum3A_163 : vector<4096xf32> to vector<4096x1xf32>
    %sub3A_165 = arith.constant 1.15443134 : f32
    %sub3A_166 = vector.broadcast %sub3A_165 : f32 to vector<4096x64xf32>
    %sub3A_167 = arith.subf %mul3A_96, %sub3A_166 : vector<4096x64xf32>
    %max3A_168 = arith.constant 0.000000e+00 : f32
    %max3A_169 = vector.broadcast %max3A_168 : f32 to vector<4096x64xf32>
    %max3A_170 = arith.maximumf %sub3A_167, %max3A_169 : vector<4096x64xf32>
    %abs3A_171 = math.absf %sub3A_167 : vector<4096x64xf32>
    %neg3A_172 = arith.constant 0.000000e+00 : f32
    %neg3A_173 = vector.broadcast %neg3A_172 : f32 to vector<4096x64xf32>
    %neg3A_174 = arith.subf %neg3A_173, %abs3A_171 : vector<4096x64xf32>
    %exp3A_175 = math.exp %neg3A_174 : vector<4096x64xf32>
    %log1p3A_176 = math.log1p %exp3A_175 : vector<4096x64xf32>
    %add3A_177 = arith.addf %max3A_170, %log1p3A_176 : vector<4096x64xf32>
    %max3A_178 = arith.constant 1.17549435E-38 : f32
    %max3A_179 = vector.broadcast %max3A_178 : f32 to vector<4096x64xf32>
    %max3A_180 = arith.maximumf %add3A_177, %max3A_179 : vector<4096x64xf32>
    %log3A_181 = math.log %max3A_180 : vector<4096x64xf32>
    %reduce_sum3A_182 = arith.constant dense<0.000000e+00> : vector<4096xf32>
    %reduce_sum3A_183 = vector.multi_reduction <add>, %log3A_181, %reduce_sum3A_182 [1] : vector<4096x64xf32> to vector<4096xf32>
    %broadcast_in_dim3A_184 = vector.shape_cast %reduce_sum3A_183 : vector<4096xf32> to vector<4096x1xf32>
    %sub3A_185 = arith.constant 1.15443134 : f32
    %sub3A_186 = vector.broadcast %sub3A_185 : f32 to vector<4096x64xf32>
    %sub3A_187 = arith.subf %mul3A_118, %sub3A_186 : vector<4096x64xf32>
    %max3A_188 = arith.constant 0.000000e+00 : f32
    %max3A_189 = vector.broadcast %max3A_188 : f32 to vector<4096x64xf32>
    %max3A_190 = arith.maximumf %sub3A_187, %max3A_189 : vector<4096x64xf32>
    %abs3A_191 = math.absf %sub3A_187 : vector<4096x64xf32>
    %neg3A_192 = arith.constant 0.000000e+00 : f32
    %neg3A_193 = vector.broadcast %neg3A_192 : f32 to vector<4096x64xf32>
    %neg3A_194 = arith.subf %neg3A_193, %abs3A_191 : vector<4096x64xf32>
    %exp3A_195 = math.exp %neg3A_194 : vector<4096x64xf32>
    %log1p3A_196 = math.log1p %exp3A_195 : vector<4096x64xf32>
    %add3A_197 = arith.addf %max3A_190, %log1p3A_196 : vector<4096x64xf32>
    %max3A_198 = arith.constant 1.17549435E-38 : f32
    %max3A_199 = vector.broadcast %max3A_198 : f32 to vector<4096x64xf32>
    %max3A_200 = arith.maximumf %add3A_197, %max3A_199 : vector<4096x64xf32>
    %log3A_201 = math.log %max3A_200 : vector<4096x64xf32>
    %reduce_sum3A_202 = arith.constant dense<0.000000e+00> : vector<4096xf32>
    %reduce_sum3A_203 = vector.multi_reduction <add>, %log3A_201, %reduce_sum3A_202 [1] : vector<4096x64xf32> to vector<4096xf32>
    %broadcast_in_dim3A_204 = vector.shape_cast %reduce_sum3A_203 : vector<4096xf32> to vector<4096x1xf32>
    %sub3A_205 = arith.subf %broadcast_in_dim3A_164, %broadcast_in_dim3A_184 : vector<4096x1xf32>
    %sub3A_206 = arith.subf %broadcast_in_dim3A_164, %broadcast_in_dim3A_204 : vector<4096x1xf32>
    %min3A = arith.minimumf %sub3A_205, %sub3A_206 : vector<4096x1xf32>
    %swap3A = arith.constant 0 : index
    %swap3A_207 = arith.constant 0 : index
    %swap3A_208 = vector.load %arg13[%swap3A, %swap3A_207] : memref<4096x1xf32, #tpu.memory_space<vmem>>, vector<4096x1xf32>
    tpu.vector_store %arg13[%swap3A, %swap3A_207], %min3A {strides = array<i32>} : memref<4096x1xf32, #tpu.memory_space<vmem>>, vector<4096x1xf32>,
    return
  }
  func.func @transform_0(%arg0: i32) -> (i32, i32) {
    %c0_i32 = arith.constant 0 : i32
    %c0_i32_0 = arith.constant 0 : i32
    return %arg0, %c0_i32 : i32, i32
  }
  func.func @transform_1(%arg0: i32) -> (i32, i32) {
    %c0_i32 = arith.constant 0 : i32
    %c0_i32_0 = arith.constant 0 : i32
    return %arg0, %c0_i32 : i32, i32
  }
  func.func @transform_2(%arg0: i32) -> (i32, i32) {
    %c0_i32 = arith.constant 0 : i32
    %c0_i32_0 = arith.constant 0 : i32
    return %arg0, %c0_i32 : i32, i32
  }
  func.func @transform_3(%arg0: i32) -> (i32, i32) {
    %c0_i32 = arith.constant 0 : i32
    %c0_i32_0 = arith.constant 0 : i32
    return %arg0, %c0_i32 : i32, i32
  }
  func.func @transform_4(%arg0: i32) -> (i32, i32) {
    %c0_i32 = arith.constant 0 : i32
    %c0_i32_0 = arith.constant 0 : i32
    return %arg0, %c0_i32 : i32, i32
  }
  func.func @transform_5(%arg0: i32) -> (i32, i32) {
    %c0_i32 = arith.constant 0 : i32
    %c0_i32_0 = arith.constant 0 : i32
    %c0_i32_1 = arith.constant 0 : i32
    return %c0_i32, %c0_i32_0 : i32, i32
  }
  func.func @transform_6(%arg0: i32) -> (i32, i32) {
    %c0_i32 = arith.constant 0 : i32
    %c0_i32_0 = arith.constant 0 : i32
    %c0_i32_1 = arith.constant 0 : i32
    return %c0_i32, %c0_i32_0 : i32, i32
  }
  func.func @transform_7(%arg0: i32) -> (i32, i32) {
    %c0_i32 = arith.constant 0 : i32
    %c0_i32_0 = arith.constant 0 : i32
    %c0_i32_1 = arith.constant 0 : i32
    return %c0_i32, %c0_i32_0 : i32, i32
  }
  func.func @transform_8(%arg0: i32) -> (i32, i32) {
    %c0_i32 = arith.constant 0 : i32
    %c0_i32_0 = arith.constant 0 : i32
    %c0_i32_1 = arith.constant 0 : i32
    return %c0_i32, %c0_i32_0 : i32, i32
  }
  func.func @transform_9(%arg0: i32) -> (i32, i32) {
    %c0_i32 = arith.constant 0 : i32
    %c0_i32_0 = arith.constant 0 : i32
    %c0_i32_1 = arith.constant 0 : i32
    return %c0_i32, %c0_i32_0 : i32, i32
  }
  func.func @transform_10(%arg0: i32) -> (i32, i32) {
    %c0_i32 = arith.constant 0 : i32
    %c0_i32_0 = arith.constant 0 : i32
    %c0_i32_1 = arith.constant 0 : i32
    return %c0_i32, %c0_i32_0 : i32, i32
  }
  func.func @transform_11(%arg0: i32) -> (i32, i32) {
    %c0_i32 = arith.constant 0 : i32
    %c0_i32_0 = arith.constant 0 : i32
    %c0_i32_1 = arith.constant 0 : i32
    return %c0_i32, %c0_i32_0 : i32, i32
  }
  func.func @transform_12(%arg0: i32) -> (i32, i32) {
    %c0_i32 = arith.constant 0 : i32
    %c0_i32_0 = arith.constant 0 : i32
    return %arg0, %c0_i32 : i32, i32
  }
}

</mosaic_0001>

<sc_bundles>
// kernel: kernel.10.cloned.1.call-start
scs
__scs_entry_jumppad:
0x0: {  	(pc) =	sbr.rel $0x88, $3  }
0x1: {  	(tag) =	ssettag $0x0;
	lr =	simm.s32 $0x1  }
0x2: {  	[smem:$0x3F95] =	sst lr;
	_ =	strace $0xD0000000  }
0x3: {  	_ = 	snop  }
0x4: {  	_ = 	snop  }
0x5: {  	_ = 	snop  }
0x6: {  	_ = 	snop  }
0x7: {  	_ = 	snop  }
__scs_overlays_trampoline_lowered:
0x8: {  	[smem:$0x3FA4] =	sst s0  }
0x9: {  	[smem:$0x3FA5] =	sst s1  }
0xa: {  	[smem:$0x3FA6] =	sst s2  }
0xb: {  	[smem:$0x3FA7] =	sst s3  }
0xc: {  	[smem:$0x3FA8] =	sst s4  }
0xd: {  	[smem:$0x3FA9] =	sst s5  }
0xe: {  	[smem:$0x3FAA] =	sst s6  }
0xf: {  	[smem:$0x3FAB] =	sst s7  }
0x10: {  	[smem:$0x3FAC] =	sst s8  }
0x11: {  	[smem:$0x3FAD] =	sst s9;
	s0 =	simm.s32 @!p0 $0x0  }
0x12: {  	s1 =	sld [smem:$0x3F93];
	s0 =	simm.s32 @p0 $0x1  }
0x13: {  	[smem:$0x3FAE] =	sst s0;
	s0 =	simm.s32 @!p1 $0x0  }
0x14: {  	s2 =	sld [smem:$0x3F92];
	s0 =	simm.s32 @p1 $0x1  }
0x15: {  	[smem:$0x3FAF] =	sst s0;
	s0 =	simm.s32 @!p2 $0x0  }
0x16: {  	s3 =	sld [smem:$0x3FDB];
	s0 =	simm.s32 @p2 $0x1  }
0x17: {  	s4 =	simm.s32 $0x1BF5;
	[smem:$0x3FB1] =	sst s0  }
0x18: {  	s0 =	sld [smem:$0x3F94];
	_ =	swait.ge [sflag:s4], $0x0  }
0x19: {  	s7 =	sld [smem:$0x3F95]  }
0x1a: {  	s8 =	sadd.s32 $0xFFFFE003, lr  }
0x1b: {  	s9 =	sadd.s32 $0xFFFFFEF7, lr;
	s5 =	simm.s32 $0xFFFFFFFF;
	p2 =	slt.u32 s8, $0xFFFFF086  }
0x1c: {  	p1 =	slt.u32 s9, $0xF7A;
	s5 =	simm.s32 @!p2 $0x0  }
0x1d: {  	s5 =	simm.s32 @p1 $0x1;
	p0 =	seq.s32 s7, s2  }
0x1e: {  	s7 =	smul.u32 @!p0 $0xF7A, s2;
	p2 =	seq.s32 @!p0 s5, $0x0  }
0x1f: {  	s9 =	smul.u32 $0xF7A, s1;
	s8 =	simm.s32 @!p0 $0x1BF5;
	p2 =	por !p2, p0  }
0x20: {  	[sflag:s8] =	ssyncset.s32 @!p0 $0xFFFFF086;
	s6 =	sadd.s32 @!p0 s3, s7;
	s7 =	simm.s32 @!p0 $0x108  }
0x21: {  	s3 =	sadd.s32 s3, s9;
	s6 =	sadd.s32 @!p0 $0x88, s6;
	s7 =	simm.s32 @p2 $0x1082  }
0x22: {  	[simem:s7], [sflag:s8] =	dma.local @!p0 [hbm:s6], $0xF7A  }
0x23: {  	s9 =	sor.u32 $0xD0000000, s2;
	s6 =	simm.s32 $0x108;
	_ =	swait.ge @!p0 [sflag:s8], $0x0  }
0x24: {  	s3 =	sadd.s32 $0x88, s3;
	s6 =	simm.s32 @!p1 $0x1082;
	[sflag:s4] =	ssyncset.s32 $0xFFFFF086  }
0x25: {  	[simem:s6], [sflag:s4] =	dma.local [hbm:s3], $0xF7A  }
0x26: {  	[smem:$0x3F95] =	sst s1;
	(tag) =	ssettag s2;
	_ =	strace s9  }
0x27: {  	s1 =	sld [smem:$0x3FA5]  }
0x28: {  	s2 =	sld [smem:$0x3FA6]  }
0x29: {  	s4 =	sld [smem:$0x3FA8]  }
0x2a: {  	p0 =	seq.s32 s5, $0x0;
	s5 =	sld [smem:$0x3FA9]  }
0x2b: {  	s6 =	sld [smem:$0x3FAA]  }
0x2c: {  	s7 =	sld [smem:$0x3FAB]  }
0x2d: {  	s3 =	simm.s32 $0x108;
	s8 =	sld [smem:$0x3FAC]  }
0x2e: {  	s3 =	simm.s32 @!p0 $0x1082;
	s9 =	sld [smem:$0x3FAD]  }
0x2f: {  	lr =	sadd.s32 s0, s3;
	s0 =	sld [smem:$0x3FA4]  }
0x30: {  	s3 =	sld [smem:$0x3FA7]  }
0x31: {  	[smem:$0x3FB0] =	sst s10  }
0x32: {  	s10 =	sld [smem:$0x3FAE];
	_ =	sdelay $0x3  }
0x33: {  	p0 =	seq.s32 s10, $0x1;
	s10 =	sld [smem:$0x3FB0];
	_ =	sdelay $0x3  }
0x34: {  	[smem:$0x3FB0] =	sst s10  }
0x35: {  	s10 =	sld [smem:$0x3FAF];
	_ =	sdelay $0x3  }
0x36: {  	p1 =	seq.s32 s10, $0x1;
	s10 =	sld [smem:$0x3FB0];
	_ =	sdelay $0x3  }
0x37: {  	[smem:$0x3FB0] =	sst s10  }
0x38: {  	s10 =	sld [smem:$0x3FB1]  }
0x39: {  	_ = 	snop;
	(pc) =	sbr.ind lr, $3  }
0x3a: {  	_ = 	snop  }
0x3b: {  	_ = 	snop  }
0x3c: {  	p2 =	seq.s32 s10, $0x1;
	s10 =	sld [smem:$0x3FB0]  }
0x3d: {  	_ =	shalt  }
0x3e: {  	_ =	shalt  }
0x3f: {  	_ =	shalt  }
0x40: {  	_ =	shalt  }
0x41: {  	_ =	shalt  }
0x42: {  	_ =	shalt  }
0x43: {  	_ =	shalt  }
0x44: {  	_ =	shalt  }
0x45: {  	_ =	shalt  }
0x46: {  	_ =	shalt  }
0x47: {  	_ =	shalt  }
0x48: {  	_ =	shalt  }
0x49: {  	_ =	shalt  }
0x4a: {  	_ =	shalt  }
0x4b: {  	_ =	shalt  }
0x4c: {  	_ =	shalt  }
0x4d: {  	_ =	shalt  }
0x4e: {  	_ =	shalt  }
0x4f: {  	_ =	shalt  }
0x50: {  	_ =	shalt  }
0x51: {  	_ =	shalt  }
0x52: {  	_ =	shalt  }
0x53: {  	_ =	shalt  }
0x54: {  	_ =	shalt  }
0x55: {  	_ =	shalt  }
0x56: {  	_ =	shalt  }
0x57: {  	_ =	shalt  }
0x58: {  	_ =	shalt  }
0x59: {  	_ =	shalt  }
0x5a: {  	_ =	shalt  }
0x5b: {  	_ =	shalt  }
0x5c: {  	_ =	shalt  }
0x5d: {  	_ =	shalt  }
0x5e: {  	_ =	shalt  }
0x5f: {  	_ =	shalt  }
0x60: {  	_ =	shalt  }
0x61: {  	_ =	shalt  }
0x62: {  	_ =	shalt  }
0x63: {  	_ =	shalt  }
0x64: {  	_ =	shalt  }
0x65: {  	_ =	shalt  }
0x66: {  	_ =	shalt  }
0x67: {  	_ =	shalt  }
0x68: {  	_ =	shalt  }
0x69: {  	_ =	shalt  }
0x6a: {  	_ =	shalt  }
0x6b: {  	_ =	shalt  }
0x6c: {  	_ =	shalt  }
0x6d: {  	_ =	shalt  }
0x6e: {  	_ =	shalt  }
0x6f: {  	_ =	shalt  }
0x70: {  	_ =	shalt  }
0x71: {  	_ =	shalt  }
0x72: {  	_ =	shalt  }
0x73: {  	_ =	shalt  }
0x74: {  	_ =	shalt  }
0x75: {  	_ =	shalt  }
0x76: {  	_ =	shalt  }
0x77: {  	_ =	shalt  }
0x78: {  	_ =	shalt  }
0x79: {  	_ =	shalt  }
0x7a: {  	_ =	shalt  }
0x7b: {  	_ =	shalt  }
0x7c: {  	_ =	shalt  }
0x7d: {  	_ =	shalt  }
0x7e: {  	_ =	shalt  }
0x7f: {  	_ =	shalt  }
0x80: {  	_ =	shalt  }
0x81: {  	_ =	shalt  }
0x82: {  	_ =	shalt  }
0x83: {  	_ =	shalt  }
0x84: {  	_ =	shalt  }
0x85: {  	_ =	shalt  }
0x86: {  	_ =	shalt  }
0x87: {  	_ =	shalt  }
.Lfunc_end0:
.L_simem_size_0:
called_computation.1_lowered:
.L_overlay_start_0:
0x88: {  	s2 =	sld [smem:$0x3FD9]  }
0x89: {  	s3 =	sld [smem:$0x3FFE];
	_ =	sdelay $0x1  }
0x8a: {  	s1 =	srdreg.scid  }
0x8b: {  	s0 =	sand.u32 $0x1, s1  }
0x8c: {  	s17 =	sshll.u32 s0, $0xA;
	s2 =	sadd.s32 s3, s2  }
0x8d: {  	s2 =	sadd.s32 s2, s17  }
0x8e: {  	[smem:$0x3FBC] =	sst s2  }
0x8f: {  	_ = 	snop  }
0x90: {  	(tm) =	ssettm $0x1  }
0x91: {  	s18 =	sld [smem:$0x3FFB];
	_ =	sdelay $0x3  }
0x92: {  	_ =	strace s18  }
0x93: {  	s2 =	sld [smem:$0x3FFC];
	_ =	sdelay $0x3  }
0x94: {  	_ =	strace s2  }
0x95: {  	s2 =	sld [smem:$0x3FFD];
	_ =	sdelay $0x3  }
0x96: {  	_ =	strace s2  }
0x97: {  	_ =	strace $0x8FFFFFFF  }
0x98: {  	s19 =	sld [smem:$0x3FDB];
	_ =	sdelay $0x1  }
0x99: {  	s20 =	simm.s32 $_scs_section_size  }
0x9a: {  	s4 =	simm.s32 $_size__tile_overlayer_lowered;
	s5 =	simm.s32 $_tile_overlayer_lowered  }
0x9b: {  	s6 =	simm.s32 $0x1BFF;
	s21 =	sshll.u32 s5, $0x1;
	s3 =	sadd.s32 s20, s19  }
0x9c: {  	s22 =	simm.s32 $0x0;
	s4 =	sshll.u32 s4, $0x1;
	s5 =	sadd.s32 s21, s3  }
0x9d: {  	[timem:s22], [sflag:s6] =	dma.local [hbm:s5], s4  }
0x9e: {  	_ =	swait.ge [sflag:s6], s4  }
0x9f: {  	s4 =	ssub.s32 $0x0, s4;
	[sflag:s6] =	ssyncset.done $0x0  }
0xa0: {  	[sflag:s6] =	ssyncadd.s32 s4;
	_ =	sdelay $0x1  }
0xa1: {  	s23 =	simm.s32 $0x1B8B  }
0xa2: {  	_ =	swait.ge [sflag:s23], $0x1  }
0xa3: {  	[sflag:s23] =	ssyncset.done $0x0  }
0xa4: {  	[sflag:s23] =	ssyncadd.s32 $0xFFFFFFFF  }
0xa5: {  	s4 =	sld [smem:$0x0]  }
0xa6: {  	s5 =	sand.u32 $0xFFFFFFFE, s1  }
0xa7: {  	p0 =	sne.s32 s1, s5  }
0xa8: {  	s5 =	sshll.u32 @p0 s5, $0xE  }
0xa9: {  	s5 =	sadd.s32 @p0 $0x11B8D, s5;
	s6 =	sshll.u32 @p0 s4, $0x11  }
0xaa: {  	s5 =	sor.u32 @p0 s6, s5  }
0xab: {  	[sflag:s5] =	ssyncadd.remote.s32 @p0 $0x1;
	_ =	sdelay $0x1  }
0xac: {  	s5 =	simm.s32 @p0 $0x1B8D  }
0xad: {  	_ =	swait.eq @p0 [sflag:s5], $0x1  }
0xae: {  	[sflag:s5] =	ssyncadd.s32 @p0 $0xFFFFFFFF  }
0xaf: {  	s6 =	sshll.u32 @!p0 s1, $0xE  }
0xb0: {  	s6 =	sor.u32 @!p0 $0x4000, s6;
	s5 =	simm.s32 @!p0 $0x1B8D  }
0xb1: {  	s4 =	sshll.u32 @!p0 s4, $0x11;
	s6 =	sadd.s32 @!p0 $0x11B8D, s6;
	_ =	swait.eq @!p0 [sflag:s5], $0x1  }
0xb2: {  	s4 =	sor.u32 @!p0 s4, s6;
	[sflag:s5] =	ssyncadd.s32 @!p0 $0xFFFFFFFF  }
0xb3: {  	s25 =	simm.s32 $0x1B8E;
	s24 =	sld [smem:$0x3FFE];
	[sflag:s4] =	ssyncadd.remote.s32 @!p0 $0x1  }
0xb4: {  	s26 =	simm.s32 $execute0_lowered;
	[smem:$0x3FD2] =	sst s25  }
0xb5: {  	s5 =	sshll.u32 s26, $0x1;
	_ =	strace $0x80000049;
	[dreg:$0x1] =	wrdreg $0xFFFFFFFF  }
0xb6: {  	s28 =	simm.s32 $_size_execute0_lowered;
	s3 =	sadd.s32 s3, s5;
	[dreg:$0x0] =	wrdreg $0x0  }
0xb7: {  	s5 =	sshll.u32 s28, $0x1;
	[dreg:$0x2] =	wrdreg s3  }
0xb8: {  	[dreg:$0x3] =	wrdreg s5  }
0xb9: {  	[dreg:$0x4] =	wrdreg $0xC0  }
0xba: {  	_ =	task [dreg:s22], $0x5FFFF  }
0xbb: {  	[dreg:$0x1] =	wrdreg $0xFFFFFFFF  }
0xbc: {  	[dreg:$0x0] =	wrdreg $0x60  }
0xbd: {  	[dreg:$0x2] =	wrdreg s24  }
0xbe: {  	[dreg:$0x3] =	wrdreg $0xA  }
0xbf: {  	_ =	task.clear_ibuf [dreg:s22], $0x4FFFF;
	_ =	strace $0x90000049  }
0xc0: {  	s29 =	simm.s32 $0xA;
	_ =	strace $0x8000004B  }
0xc1: {  	_ =	swait.ge [sflag:s29], $0x1  }
0xc2: {  	[sflag:s29] =	ssyncadd.s32 $0xFFFFFFFF  }
0xc3: {  	_ =	strace $0x9000004B  }
0xc4: {  	_ =	sfence  }
0xc5: {  	s30 =	sld [smem:$0x0];
	_ =	sdelay $0x2  }
0xc6: {  	s31 =	sshll.u32 s1, $0xD;
	s1 =	sshrl.u32 s1, $0x2  }
0xc7: {  	s4 =	sand.u32 $0x4000, s31;
	s1 =	sadd.s32 s1, s30  }
0xc8: {  	s0 =	sor.u32 s4, s0;
	s1 =	sshll.u32 s1, $0x11  }
0xc9: {  	s0 =	sor.u32 s1, s0  }
0xca: {  	s0 =	sadd.s32 $0x8F2B, s0  }
0xcb: {  	[sflag:s0] =	ssyncadd.remote.s32 $0x1  }
0xcc: {  	_ =	sfence.sel $0xFFFF  }
0xcd: {  	[dreg:$0x0] =	wrdreg $0xFFFFFFFF;
	(pc) =	sbr.abs _section_cstart, $3  }
0xce: {  	[dreg:$0x1] =	wrdreg $0xFFFFFFFF  }
0xcf: {  	_ =	task.clear_ibuf [dreg:s22], $0x2FFFF;
	_ =	strace $0x9FFFFFFF  }
0xd0: {  	(tm) =	ssettm $0x7FFFFFFF  }
0xd1: {  	_ =	shalt  }
tec
execute0_lowered:
.L_overlay_start_1:
0x0: {  	(tag) =	ssettag $0x1  }
0x1: {  	s1 =	srdreg.scid  }
0x2: {  	s0 =	stileid.u32;
	s21 =	sand.u32 $0x1, s1  }
0x3: {  	s11 =	rddreg [dreg:$0x0];
	s3 =	sshll.u32 s0, $0xA;
	s4 =	sshll.u32 s21, $0x9  }
0x4: {  	s2 =	simm.s32 $0x0;
	s1 =	rddreg [dreg:$0x1];
	s20 =	sor.u32 s4, s3  }
0x5: {  	[smem:$0x7FF] =	sst s2;
	s19 =	sadd.s32 $0x1E00, s11;
	s3 =	sshrl.u32 s20, $0x3  }
0x6: {  	_ =	strace $0x8000004A;
	s4 =	simm.s32 $0x3;
	s3 =	sadd.s32 s19, s3  }
0x7: {  	[tilespmem:s2], [sflag:$0x3] =	stream.linear.gather [hbm4b:s3+s2], $0x80, $0x38;
	[tilespmem:$0x8080] =	vst v63  }
0x8: {  	_ =	swait.ge [sflag:s4], $0x80  }
0x9: {  	[sflag:s4] =	ssyncset.done $0x0  }
0xa: {  	s6 =	simm.s32 $0x80;
	s5 =	sadd.s32 $0x212600, s11;
	[sflag:s4] =	ssyncadd.s32 $0xFFFFFF80  }
0xb: {  	[tilespmem:s6], [sflag:$0x1] =	stream.indirect.gather [hbm4b:s5+s6], $0x80, s2, s6, $0xb8;
	[tilespmem:$0x8080] =	vst v63  }
0xc: {  	s8 =	simm.s32 $0x4080;
	s9 =	simm.s32 $0x1;
	s7 =	sadd.s32 $0x3A2600, s11  }
0xd: {  	[tilespmem:s8], [sflag:$0x1] =	stream.indirect.gather [hbm4b:s7+s6], $0x80, s2, s6, $0xb8;
	[tilespmem:$0x8080] =	vst v63  }
0xe: {  	_ =	swait.ge [sflag:s9], $0x4000  }
0xf: {  	s22 =	sadd.s32 $0x532600, s11;
	s12 =	sshll.u32 s20, $0x4;
	[sflag:s9] =	ssyncset.done $0x0  }
0x10: {  	s10 =	sadd.s32 s22, s12;
	[sflag:s9] =	ssyncadd.s32 $0xFFFFC000  }
0x11: {  	[hbm4b:s10+s2] =	stream.linear.scatter [tilespmem:s6], [sflag:$0x2], $0x4000, $0x38;
	[tilespmem:$0x8080] =	vst v63  }
0x12: {  	_ =	swait.ge [sflag:s9], $0x4000  }
0x13: {  	s23 =	sadd.s32 $0x572600, s11;
	[sflag:s9] =	ssyncset.done $0x0  }
0x14: {  	s11 =	simm.s32 $0x2;
	s12 =	sadd.s32 s23, s12;
	[sflag:s9] =	ssyncadd.s32 $0xFFFFC000  }
0x15: {  	[hbm4b:s12+s2] =	stream.linear.scatter [tilespmem:s8], [sflag:$0x2], $0x4000, $0x38;
	[tilespmem:$0x8080] =	vst v63  }
0x16: {  	_ =	swait.ge [sflag:s11], $0x4000  }
0x17: {  	[sflag:s11] =	ssyncset.done $0x0  }
0x18: {  	[sflag:s11] =	ssyncadd.s32 $0xFFFFC000  }
0x19: {  	s14 =	sor.u32 $0x80, s20;
	_ =	swait.ge [sflag:s11], $0x4000  }
0x1a: {  	s13 =	sshrl.u32 s14, $0x3;
	[sflag:s11] =	ssyncset.done $0x0  }
0x1b: {  	s13 =	sadd.s32 s19, s13;
	[sflag:s11] =	ssyncadd.s32 $0xFFFFC000  }
0x1c: {  	[tilespmem:s2], [sflag:$0x3] =	stream.linear.gather [hbm4b:s13+s2], $0x80, $0x38;
	[tilespmem:$0x8080] =	vst v63  }
0x1d: {  	_ =	swait.ge [sflag:s4], $0x80  }
0x1e: {  	[sflag:s4] =	ssyncset.done $0x0  }
0x1f: {  	[sflag:s4] =	ssyncadd.s32 $0xFFFFFF80  }
0x20: {  	[tilespmem:s6], [sflag:$0x1] =	stream.indirect.gather [hbm4b:s5+s6], $0x80, s2, s6, $0xb8;
	[tilespmem:$0x8080] =	vst v63  }
0x21: {  	_ = 	snop  }
0x22: {  	[tilespmem:s8], [sflag:$0x1] =	stream.indirect.gather [hbm4b:s7+s6], $0x80, s2, s6, $0xb8;
	[tilespmem:$0x8080] =	vst v63  }
0x23: {  	_ =	swait.ge [sflag:s9], $0x4000  }
0x24: {  	s15 =	sshll.u32 s14, $0x4;
	[sflag:s9] =	ssyncset.done $0x0  }
0x25: {  	s14 =	sadd.s32 s22, s15;
	[sflag:s9] =	ssyncadd.s32 $0xFFFFC000  }
0x26: {  	[hbm4b:s14+s2] =	stream.linear.scatter [tilespmem:s6], [sflag:$0x2], $0x4000, $0x38;
	[tilespmem:$0x8080] =	vst v63  }
0x27: {  	_ =	swait.ge [sflag:s9], $0x4000  }
0x28: {  	[sflag:s9] =	ssyncset.done $0x0  }
0x29: {  	s15 =	sadd.s32 s23, s15;
	[sflag:s9] =	ssyncadd.s32 $0xFFFFC000  }
0x2a: {  	[hbm4b:s15+s2] =	stream.linear.scatter [tilespmem:s8], [sflag:$0x2], $0x4000, $0x38;
	[tilespmem:$0x8080] =	vst v63  }
0x2b: {  	_ =	swait.ge [sflag:s11], $0x4000  }
0x2c: {  	[sflag:s11] =	ssyncset.done $0x0  }
0x2d: {  	[sflag:s11] =	ssyncadd.s32 $0xFFFFC000  }
0x2e: {  	s17 =	sor.u32 $0x100, s20;
	_ =	swait.ge [sflag:s11], $0x4000  }
0x2f: {  	s16 =	sshrl.u32 s17, $0x3;
	[sflag:s11] =	ssyncset.done $0x0  }
0x30: {  	s16 =	sadd.s32 s19, s16;
	[sflag:s11] =	ssyncadd.s32 $0xFFFFC000  }
0x31: {  	[tilespmem:s2], [sflag:$0x3] =	stream.linear.gather [hbm4b:s16+s2], $0x80, $0x38;
	[tilespmem:$0x8080] =	vst v63  }
0x32: {  	_ =	swait.ge [sflag:s4], $0x80  }
0x33: {  	[sflag:s4] =	ssyncset.done $0x0  }
0x34: {  	[sflag:s4] =	ssyncadd.s32 $0xFFFFFF80  }
0x35: {  	[tilespmem:s6], [sflag:$0x1] =	stream.indirect.gather [hbm4b:s5+s6], $0x80, s2, s6, $0xb8;
	[tilespmem:$0x8080] =	vst v63  }
0x36: {  	_ = 	snop  }
0x37: {  	[tilespmem:s8], [sflag:$0x1] =	stream.indirect.gather [hbm4b:s7+s6], $0x80, s2, s6, $0xb8;
	[tilespmem:$0x8080] =	vst v63  }
0x38: {  	_ =	swait.ge [sflag:s9], $0x4000  }
0x39: {  	s18 =	sshll.u32 s17, $0x4;
	[sflag:s9] =	ssyncset.done $0x0  }
0x3a: {  	s17 =	sadd.s32 s22, s18;
	[sflag:s9] =	ssyncadd.s32 $0xFFFFC000  }
0x3b: {  	[hbm4b:s17+s2] =	stream.linear.scatter [tilespmem:s6], [sflag:$0x2], $0x4000, $0x38;
	[tilespmem:$0x8080] =	vst v63  }
0x3c: {  	_ =	swait.ge [sflag:s9], $0x4000  }
0x3d: {  	[sflag:s9] =	ssyncset.done $0x0  }
0x3e: {  	s18 =	sadd.s32 s23, s18;
	[sflag:s9] =	ssyncadd.s32 $0xFFFFC000  }
0x3f: {  	[hbm4b:s18+s2] =	stream.linear.scatter [tilespmem:s8], [sflag:$0x2], $0x4000, $0x38;
	[tilespmem:$0x8080] =	vst v63  }
0x40: {  	_ =	swait.ge [sflag:s11], $0x4000  }
0x41: {  	[sflag:s11] =	ssyncset.done $0x0  }
0x42: {  	[sflag:s11] =	ssyncadd.s32 $0xFFFFC000  }
0x43: {  	s20 =	sor.u32 $0x180, s20;
	_ =	swait.ge [sflag:s11], $0x4000  }
0x44: {  	s24 =	sshrl.u32 s20, $0x3;
	[sflag:s11] =	ssyncset.done $0x0  }
0x45: {  	s19 =	sadd.s32 s19, s24;
	[sflag:s11] =	ssyncadd.s32 $0xFFFFC000  }
0x46: {  	[tilespmem:s2], [sflag:$0x3] =	stream.linear.gather [hbm4b:s19+s2], $0x80, $0x38;
	[tilespmem:$0x8080] =	vst v63  }
0x47: {  	_ =	swait.ge [sflag:s4], $0x80  }
0x48: {  	[sflag:s4] =	ssyncset.done $0x0  }
0x49: {  	[sflag:s4] =	ssyncadd.s32 $0xFFFFFF80  }
0x4a: {  	[tilespmem:s6], [sflag:$0x1] =	stream.indirect.gather [hbm4b:s5+s6], $0x80, s2, s6, $0xb8;
	[tilespmem:$0x8080] =	vst v63  }
0x4b: {  	_ = 	snop  }
0x4c: {  	[tilespmem:s8], [sflag:$0x1] =	stream.indirect.gather [hbm4b:s7+s6], $0x80, s2, s6, $0xb8;
	[tilespmem:$0x8080] =	vst v63  }
0x4d: {  	_ =	swait.ge [sflag:s9], $0x4000  }
0x4e: {  	s30 =	ssub.s32 $0x2, s21;
	s29 =	sshll.u32 s20, $0x4;
	[sflag:s9] =	ssyncset.done $0x0  }
0x4f: {  	s31 =	sshrl.u32 s30, $0x1;
	s20 =	sadd.s32 s22, s29;
	[sflag:s9] =	ssyncadd.s32 $0xFFFFC000  }
0x50: {  	[hbm4b:s20+s2] =	stream.linear.scatter [tilespmem:s6], [sflag:$0x2], $0x4000, $0x38;
	[tilespmem:$0x8080] =	vst v63  }
0x51: {  	s22 =	ssub.s32 s30, s31;
	_ =	swait.ge [sflag:s9], $0x4000  }
0x52: {  	s22 =	smax.u32 s22, $0x1;
	[sflag:s9] =	ssyncset.done $0x0  }
0x53: {  	s21 =	sadd.s32 s23, s29;
	p0 =	sne.s32 s22, $0x1;
	[sflag:s9] =	ssyncadd.s32 $0xFFFFC000  }
0x54: {  	[hbm4b:s21+s2] =	stream.linear.scatter [tilespmem:s8], [sflag:$0x2], $0x4000, $0x38;
	[tilespmem:$0x8080] =	vst v63  }
.Ltmp0:
0x55: {  	_ =	swait.ge [sflag:s11], $0x4000;
	(pc) =	sbr.rel @!p0 .LBB2_2-.Ltmp0, $4  }
0x56: {  	[sflag:s11] =	ssyncset.done $0x0  }
0x57: {  	[sflag:s11] =	ssyncadd.s32 $0xFFFFC000  }
0x58: {  	_ =	swait.ge [sflag:s11], $0x4000  }
0x59: {  	s22 =	sadd.s32 $0xFFFFFFFF, s22;
	[sflag:s11] =	ssyncset.done $0x0  }
.LBB2_1:
0x5a: {  	p0 =	sne.s32 s22, $0x1;
	s22 =	sadd.s32 $0xFFFFFFFF, s22;
	[sflag:s11] =	ssyncadd.s32 $0xFFFFC000  }
0x5b: {  	[tilespmem:s2], [sflag:$0x3] =	stream.linear.gather [hbm4b:s3+s2], $0x80, $0x38;
	[tilespmem:$0x8080] =	vst v63  }
0x5c: {  	_ =	swait.ge [sflag:s4], $0x80  }
0x5d: {  	[sflag:s4] =	ssyncset.done $0x0  }
0x5e: {  	[sflag:s4] =	ssyncadd.s32 $0xFFFFFF80  }
0x5f: {  	[tilespmem:s6], [sflag:$0x1] =	stream.indirect.gather [hbm4b:s5+s6], $0x80, s2, s6, $0xb8;
	[tilespmem:$0x8080] =	vst v63  }
0x60: {  	_ = 	snop  }
0x61: {  	[tilespmem:s8], [sflag:$0x1] =	stream.indirect.gather [hbm4b:s7+s6], $0x80, s2, s6, $0xb8;
	[tilespmem:$0x8080] =	vst v63  }
0x62: {  	_ =	swait.ge [sflag:s9], $0x4000  }
0x63: {  	[sflag:s9] =	ssyncset.done $0x0  }
0x64: {  	[sflag:s9] =	ssyncadd.s32 $0xFFFFC000  }
0x65: {  	[hbm4b:s10+s2] =	stream.linear.scatter [tilespmem:s6], [sflag:$0x2], $0x4000, $0x38;
	[tilespmem:$0x8080] =	vst v63  }
0x66: {  	_ =	swait.ge [sflag:s9], $0x4000  }
0x67: {  	[sflag:s9] =	ssyncset.done $0x0  }
0x68: {  	[sflag:s9] =	ssyncadd.s32 $0xFFFFC000  }
0x69: {  	[hbm4b:s12+s2] =	stream.linear.scatter [tilespmem:s8], [sflag:$0x2], $0x4000, $0x38;
	[tilespmem:$0x8080] =	vst v63  }
0x6a: {  	_ =	swait.ge [sflag:s11], $0x4000  }
0x6b: {  	[sflag:s11] =	ssyncset.done $0x0  }
0x6c: {  	[sflag:s11] =	ssyncadd.s32 $0xFFFFC000  }
0x6d: {  	_ =	swait.ge [sflag:s11], $0x4000  }
0x6e: {  	[sflag:s11] =	ssyncset.done $0x0  }
0x6f: {  	[sflag:s11] =	ssyncadd.s32 $0xFFFFC000  }
0x70: {  	[tilespmem:s2], [sflag:$0x3] =	stream.linear.gather [hbm4b:s13+s2], $0x80, $0x38;
	[tilespmem:$0x8080] =	vst v63  }
0x71: {  	_ =	swait.ge [sflag:s4], $0x80  }
0x72: {  	[sflag:s4] =	ssyncset.done $0x0  }
0x73: {  	[sflag:s4] =	ssyncadd.s32 $0xFFFFFF80  }
0x74: {  	[tilespmem:s6], [sflag:$0x1] =	stream.indirect.gather [hbm4b:s5+s6], $0x80, s2, s6, $0xb8;
	[tilespmem:$0x8080] =	vst v63  }
0x75: {  	_ = 	snop  }
0x76: {  	[tilespmem:s8], [sflag:$0x1] =	stream.indirect.gather [hbm4b:s7+s6], $0x80, s2, s6, $0xb8;
	[tilespmem:$0x8080] =	vst v63  }
0x77: {  	_ =	swait.ge [sflag:s9], $0x4000  }
0x78: {  	[sflag:s9] =	ssyncset.done $0x0  }
0x79: {  	[sflag:s9] =	ssyncadd.s32 $0xFFFFC000  }
0x7a: {  	[hbm4b:s14+s2] =	stream.linear.scatter [tilespmem:s6], [sflag:$0x2], $0x4000, $0x38;
	[tilespmem:$0x8080] =	vst v63  }
0x7b: {  	_ =	swait.ge [sflag:s9], $0x4000  }
0x7c: {  	[sflag:s9] =	ssyncset.done $0x0  }
0x7d: {  	[sflag:s9] =	ssyncadd.s32 $0xFFFFC000  }
0x7e: {  	[hbm4b:s15+s2] =	stream.linear.scatter [tilespmem:s8], [sflag:$0x2], $0x4000, $0x38;
	[tilespmem:$0x8080] =	vst v63  }
0x7f: {  	_ =	swait.ge [sflag:s11], $0x4000  }
0x80: {  	[sflag:s11] =	ssyncset.done $0x0  }
0x81: {  	[sflag:s11] =	ssyncadd.s32 $0xFFFFC000  }
0x82: {  	_ =	swait.ge [sflag:s11], $0x4000  }
0x83: {  	[sflag:s11] =	ssyncset.done $0x0  }
0x84: {  	[sflag:s11] =	ssyncadd.s32 $0xFFFFC000  }
0x85: {  	[tilespmem:s2], [sflag:$0x3] =	stream.linear.gather [hbm4b:s16+s2], $0x80, $0x38;
	[tilespmem:$0x8080] =	vst v63  }
0x86: {  	_ =	swait.ge [sflag:s4], $0x80  }
0x87: {  	[sflag:s4] =	ssyncset.done $0x0  }
0x88: {  	[sflag:s4] =	ssyncadd.s32 $0xFFFFFF80  }
0x89: {  	[tilespmem:s6], [sflag:$0x1] =	stream.indirect.gather [hbm4b:s5+s6], $0x80, s2, s6, $0xb8;
	[tilespmem:$0x8080] =	vst v63  }
0x8a: {  	_ = 	snop  }
0x8b: {  	[tilespmem:s8], [sflag:$0x1] =	stream.indirect.gather [hbm4b:s7+s6], $0x80, s2, s6, $0xb8;
	[tilespmem:$0x8080] =	vst v63  }
0x8c: {  	_ =	swait.ge [sflag:s9], $0x4000  }
0x8d: {  	[sflag:s9] =	ssyncset.done $0x0  }
0x8e: {  	[sflag:s9] =	ssyncadd.s32 $0xFFFFC000  }
0x8f: {  	[hbm4b:s17+s2] =	stream.linear.scatter [tilespmem:s6], [sflag:$0x2], $0x4000, $0x38;
	[tilespmem:$0x8080] =	vst v63  }
0x90: {  	_ =	swait.ge [sflag:s9], $0x4000  }
0x91: {  	[sflag:s9] =	ssyncset.done $0x0  }
0x92: {  	[sflag:s9] =	ssyncadd.s32 $0xFFFFC000  }
0x93: {  	[hbm4b:s18+s2] =	stream.linear.scatter [tilespmem:s8], [sflag:$0x2], $0x4000, $0x38;
	[tilespmem:$0x8080] =	vst v63  }
0x94: {  	_ =	swait.ge [sflag:s11], $0x4000  }
0x95: {  	[sflag:s11] =	ssyncset.done $0x0  }
0x96: {  	[sflag:s11] =	ssyncadd.s32 $0xFFFFC000  }
0x97: {  	_ =	swait.ge [sflag:s11], $0x4000  }
0x98: {  	[sflag:s11] =	ssyncset.done $0x0  }
0x99: {  	[sflag:s11] =	ssyncadd.s32 $0xFFFFC000  }
0x9a: {  	[tilespmem:s2], [sflag:$0x3] =	stream.linear.gather [hbm4b:s19+s2], $0x80, $0x38;
	[tilespmem:$0x8080] =	vst v63  }
0x9b: {  	_ =	swait.ge [sflag:s4], $0x80  }
0x9c: {  	[sflag:s4] =	ssyncset.done $0x0  }
0x9d: {  	[sflag:s4] =	ssyncadd.s32 $0xFFFFFF80  }
0x9e: {  	[tilespmem:s6], [sflag:$0x1] =	stream.indirect.gather [hbm4b:s5+s6], $0x80, s2, s6, $0xb8;
	[tilespmem:$0x8080] =	vst v63  }
0x9f: {  	_ = 	snop  }
0xa0: {  	[tilespmem:s8], [sflag:$0x1] =	stream.indirect.gather [hbm4b:s7+s6], $0x80, s2, s6, $0xb8;
	[tilespmem:$0x8080] =	vst v63  }
0xa1: {  	_ =	swait.ge [sflag:s9], $0x4000  }
0xa2: {  	[sflag:s9] =	ssyncset.done $0x0  }
0xa3: {  	[sflag:s9] =	ssyncadd.s32 $0xFFFFC000  }
0xa4: {  	[hbm4b:s20+s2] =	stream.linear.scatter [tilespmem:s6], [sflag:$0x2], $0x4000, $0x38;
	[tilespmem:$0x8080] =	vst v63  }
0xa5: {  	_ =	swait.ge [sflag:s9], $0x4000  }
0xa6: {  	[sflag:s9] =	ssyncset.done $0x0  }
0xa7: {  	[sflag:s9] =	ssyncadd.s32 $0xFFFFC000  }
0xa8: {  	[hbm4b:s21+s2] =	stream.linear.scatter [tilespmem:s8], [sflag:$0x2], $0x4000, $0x38;
	[tilespmem:$0x8080] =	vst v63  }
.Ltmp1:
0xa9: {  	_ =	swait.ge [sflag:s11], $0x4000;
	(pc) =	sbr.rel @p0 .LBB2_1-.Ltmp1, $4  }
0xaa: {  	[sflag:s11] =	ssyncset.done $0x0  }
0xab: {  	[sflag:s11] =	ssyncadd.s32 $0xFFFFC000  }
0xac: {  	_ =	swait.ge [sflag:s11], $0x4000  }
0xad: {  	[sflag:s11] =	ssyncset.done $0x0  }
.LBB2_2:
0xae: {  	[sflag:s11] =	ssyncadd.s32 $0xFFFFC000  }
0xaf: {  	_ =	sfence.sel $0x180000  }
0xb0: {  	[bflag:$0x0] =	sbarrier.arrive $0xFFFF  }
0xb1: {  	p0 =	sne.s32 s0, $0x0;
	_ =	strace $0x9000004A  }
0xb2: {  	s0 =	sadd.s32 @!p0 $0x100000, s1;
	[bflag:$0x2] =	sbarrier.arrive $0xFFFF  }
0xb3: {  	[sflag:s0] =	ssyncadd.tile.s32 @!p0 $0x1;
	_ =	shalt  }
.Lfunc_end2:
_tile_overlayer_lowered:
.L_overlay_start_2:
0xb4: {  	(tag) =	ssettag $0x2  }
0xb5: {  	s0 =	rddreg [dreg:$0x0];
	s2 =	stileid.u32  }
0xb6: {  	s1 =	rddreg [dreg:$0x1];
	p0 =	sne.s32 s2, $0x0  }
0xb7: {  	s3 =	rddreg [dreg:$0x2];
	[bflag:$0x3] =	sbarrier.arrive $0xFFFF;
	s2 =	simm.s32 @!p0 $0x1C03  }
0xb8: {  	[timem:s3], [sflag:s2] =	dma.local @!p0 [hbm:s0], s1  }
0xb9: {  	s0 =	simm.s32 @!p0 $0x3  }
0xba: {  	_ =	swait.ge @!p0 [sflag:s0], s1  }
0xbb: {  	s1 =	ssub.s32 @!p0 $0x0, s1;
	[sflag:s0] =	ssyncset.done @!p0 $0x0  }
0xbc: {  	[sflag:s0] =	ssyncadd.s32 @!p0 s1  }
0xbd: {  	[bflag:$0x3] =	sbarrier.arrive $0xFFFF  }
0xbe: {  	_ =	shalt  }

// kernel: kernel.7.cloned.1.call-start
scs
__scs_entry_jumppad:
0x0: {  	(pc) =	sbr.rel $0x88, $3  }
0x1: {  	(tag) =	ssettag $0x0;
	lr =	simm.s32 $0x1  }
0x2: {  	[smem:$0x3F95] =	sst lr;
	_ =	strace $0xD0000000  }
0x3: {  	_ = 	snop  }
0x4: {  	_ = 	snop  }
0x5: {  	_ = 	snop  }
0x6: {  	_ = 	snop  }
0x7: {  	_ = 	snop  }
__scs_overlays_trampoline_lowered:
0x8: {  	[smem:$0x3FA4] =	sst s0  }
0x9: {  	[smem:$0x3FA5] =	sst s1  }
0xa: {  	[smem:$0x3FA6] =	sst s2  }
0xb: {  	[smem:$0x3FA7] =	sst s3  }
0xc: {  	[smem:$0x3FA8] =	sst s4  }
0xd: {  	[smem:$0x3FA9] =	sst s5  }
0xe: {  	[smem:$0x3FAA] =	sst s6  }
0xf: {  	[smem:$0x3FAB] =	sst s7  }
0x10: {  	[smem:$0x3FAC] =	sst s8  }
0x11: {  	[smem:$0x3FAD] =	sst s9;
	s0 =	simm.s32 @!p0 $0x0  }
0x12: {  	s1 =	sld [smem:$0x3F93];
	s0 =	simm.s32 @p0 $0x1  }
0x13: {  	[smem:$0x3FAE] =	sst s0;
	s0 =	simm.s32 @!p1 $0x0  }
0x14: {  	s2 =	sld [smem:$0x3F92];
	s0 =	simm.s32 @p1 $0x1  }
0x15: {  	[smem:$0x3FAF] =	sst s0;
	s0 =	simm.s32 @!p2 $0x0  }
0x16: {  	s3 =	sld [smem:$0x3FDB];
	s0 =	simm.s32 @p2 $0x1  }
0x17: {  	s4 =	simm.s32 $0x1BF5;
	[smem:$0x3FB1] =	sst s0  }
0x18: {  	s0 =	sld [smem:$0x3F94];
	_ =	swait.ge [sflag:s4], $0x0  }
0x19: {  	s7 =	sld [smem:$0x3F95]  }
0x1a: {  	s8 =	sadd.s32 $0xFFFFE003, lr  }
0x1b: {  	s9 =	sadd.s32 $0xFFFFFEF7, lr;
	s5 =	simm.s32 $0xFFFFFFFF;
	p2 =	slt.u32 s8, $0xFFFFF086  }
0x1c: {  	p1 =	slt.u32 s9, $0xF7A;
	s5 =	simm.s32 @!p2 $0x0  }
0x1d: {  	s5 =	simm.s32 @p1 $0x1;
	p0 =	seq.s32 s7, s2  }
0x1e: {  	s7 =	smul.u32 @!p0 $0xF7A, s2;
	p2 =	seq.s32 @!p0 s5, $0x0  }
0x1f: {  	s9 =	smul.u32 $0xF7A, s1;
	s8 =	simm.s32 @!p0 $0x1BF5;
	p2 =	por !p2, p0  }
0x20: {  	[sflag:s8] =	ssyncset.s32 @!p0 $0xFFFFF086;
	s6 =	sadd.s32 @!p0 s3, s7;
	s7 =	simm.s32 @!p0 $0x108  }
0x21: {  	s3 =	sadd.s32 s3, s9;
	s6 =	sadd.s32 @!p0 $0x88, s6;
	s7 =	simm.s32 @p2 $0x1082  }
0x22: {  	[simem:s7], [sflag:s8] =	dma.local @!p0 [hbm:s6], $0xF7A  }
0x23: {  	s9 =	sor.u32 $0xD0000000, s2;
	s6 =	simm.s32 $0x108;
	_ =	swait.ge @!p0 [sflag:s8], $0x0  }
0x24: {  	s3 =	sadd.s32 $0x88, s3;
	s6 =	simm.s32 @!p1 $0x1082;
	[sflag:s4] =	ssyncset.s32 $0xFFFFF086  }
0x25: {  	[simem:s6], [sflag:s4] =	dma.local [hbm:s3], $0xF7A  }
0x26: {  	[smem:$0x3F95] =	sst s1;
	(tag) =	ssettag s2;
	_ =	strace s9  }
0x27: {  	s1 =	sld [smem:$0x3FA5]  }
0x28: {  	s2 =	sld [smem:$0x3FA6]  }
0x29: {  	s4 =	sld [smem:$0x3FA8]  }
0x2a: {  	p0 =	seq.s32 s5, $0x0;
	s5 =	sld [smem:$0x3FA9]  }
0x2b: {  	s6 =	sld [smem:$0x3FAA]  }
0x2c: {  	s7 =	sld [smem:$0x3FAB]  }
0x2d: {  	s3 =	simm.s32 $0x108;
	s8 =	sld [smem:$0x3FAC]  }
0x2e: {  	s3 =	simm.s32 @!p0 $0x1082;
	s9 =	sld [smem:$0x3FAD]  }
0x2f: {  	lr =	sadd.s32 s0, s3;
	s0 =	sld [smem:$0x3FA4]  }
0x30: {  	s3 =	sld [smem:$0x3FA7]  }
0x31: {  	[smem:$0x3FB0] =	sst s10  }
0x32: {  	s10 =	sld [smem:$0x3FAE];
	_ =	sdelay $0x3  }
0x33: {  	p0 =	seq.s32 s10, $0x1;
	s10 =	sld [smem:$0x3FB0];
	_ =	sdelay $0x3  }
0x34: {  	[smem:$0x3FB0] =	sst s10  }
0x35: {  	s10 =	sld [smem:$0x3FAF];
	_ =	sdelay $0x3  }
0x36: {  	p1 =	seq.s32 s10, $0x1;
	s10 =	sld [smem:$0x3FB0];
	_ =	sdelay $0x3  }
0x37: {  	[smem:$0x3FB0] =	sst s10  }
0x38: {  	s10 =	sld [smem:$0x3FB1]  }
0x39: {  	_ = 	snop;
	(pc) =	sbr.ind lr, $3  }
0x3a: {  	_ = 	snop  }
0x3b: {  	_ = 	snop  }
0x3c: {  	p2 =	seq.s32 s10, $0x1;
	s10 =	sld [smem:$0x3FB0]  }
0x3d: {  	_ =	shalt  }
0x3e: {  	_ =	shalt  }
0x3f: {  	_ =	shalt  }
0x40: {  	_ =	shalt  }
0x41: {  	_ =	shalt  }
0x42: {  	_ =	shalt  }
0x43: {  	_ =	shalt  }
0x44: {  	_ =	shalt  }
0x45: {  	_ =	shalt  }
0x46: {  	_ =	shalt  }
0x47: {  	_ =	shalt  }
0x48: {  	_ =	shalt  }
0x49: {  	_ =	shalt  }
0x4a: {  	_ =	shalt  }
0x4b: {  	_ =	shalt  }
0x4c: {  	_ =	shalt  }
0x4d: {  	_ =	shalt  }
0x4e: {  	_ =	shalt  }
0x4f: {  	_ =	shalt  }
0x50: {  	_ =	shalt  }
0x51: {  	_ =	shalt  }
0x52: {  	_ =	shalt  }
0x53: {  	_ =	shalt  }
0x54: {  	_ =	shalt  }
0x55: {  	_ =	shalt  }
0x56: {  	_ =	shalt  }
0x57: {  	_ =	shalt  }
0x58: {  	_ =	shalt  }
0x59: {  	_ =	shalt  }
0x5a: {  	_ =	shalt  }
0x5b: {  	_ =	shalt  }
0x5c: {  	_ =	shalt  }
0x5d: {  	_ =	shalt  }
0x5e: {  	_ =	shalt  }
0x5f: {  	_ =	shalt  }
0x60: {  	_ =	shalt  }
0x61: {  	_ =	shalt  }
0x62: {  	_ =	shalt  }
0x63: {  	_ =	shalt  }
0x64: {  	_ =	shalt  }
0x65: {  	_ =	shalt  }
0x66: {  	_ =	shalt  }
0x67: {  	_ =	shalt  }
0x68: {  	_ =	shalt  }
0x69: {  	_ =	shalt  }
0x6a: {  	_ =	shalt  }
0x6b: {  	_ =	shalt  }
0x6c: {  	_ =	shalt  }
0x6d: {  	_ =	shalt  }
0x6e: {  	_ =	shalt  }
0x6f: {  	_ =	shalt  }
0x70: {  	_ =	shalt  }
0x71: {  	_ =	shalt  }
0x72: {  	_ =	shalt  }
0x73: {  	_ =	shalt  }
0x74: {  	_ =	shalt  }
0x75: {  	_ =	shalt  }
0x76: {  	_ =	shalt  }
0x77: {  	_ =	shalt  }
0x78: {  	_ =	shalt  }
0x79: {  	_ =	shalt  }
0x7a: {  	_ =	shalt  }
0x7b: {  	_ =	shalt  }
0x7c: {  	_ =	shalt  }
0x7d: {  	_ =	shalt  }
0x7e: {  	_ =	shalt  }
0x7f: {  	_ =	shalt  }
0x80: {  	_ =	shalt  }
0x81: {  	_ =	shalt  }
0x82: {  	_ =	shalt  }
0x83: {  	_ =	shalt  }
0x84: {  	_ =	shalt  }
0x85: {  	_ =	shalt  }
0x86: {  	_ =	shalt  }
0x87: {  	_ =	shalt  }
.Lfunc_end0:
.L_simem_size_0:
called_computation_lowered:
.L_overlay_start_0:
0x88: {  	s2 =	sld [smem:$0x3FD9]  }
0x89: {  	s3 =	sld [smem:$0x3FFE];
	_ =	sdelay $0x1  }
0x8a: {  	s1 =	srdreg.scid  }
0x8b: {  	s0 =	sand.u32 $0x1, s1  }
0x8c: {  	s16 =	sshll.u32 s0, $0xA;
	s2 =	sadd.s32 s3, s2  }
0x8d: {  	s2 =	sadd.s32 s2, s16  }
0x8e: {  	[smem:$0x3FBC] =	sst s2  }
0x8f: {  	_ = 	snop  }
0x90: {  	(tm) =	ssettm $0x1  }
0x91: {  	s17 =	sld [smem:$0x3FFB];
	_ =	sdelay $0x3  }
0x92: {  	_ =	strace s17  }
0x93: {  	s2 =	sld [smem:$0x3FFC];
	_ =	sdelay $0x3  }
0x94: {  	_ =	strace s2  }
0x95: {  	s2 =	sld [smem:$0x3FFD];
	_ =	sdelay $0x3  }
0x96: {  	_ =	strace s2  }
0x97: {  	_ =	strace $0x8FFFFFFF  }
0x98: {  	s18 =	sld [smem:$0x3FDB];
	_ =	sdelay $0x1  }
0x99: {  	s19 =	simm.s32 $_scs_section_size  }
0x9a: {  	s4 =	simm.s32 $_size__tile_overlayer_lowered;
	s5 =	simm.s32 $_tile_overlayer_lowered  }
0x9b: {  	s22 =	simm.s32 $0x1BFF;
	s21 =	sshll.u32 s5, $0x1;
	s2 =	sadd.s32 s19, s18  }
0x9c: {  	s6 =	simm.s32 $0x0;
	s20 =	sshll.u32 s4, $0x1;
	s4 =	sadd.s32 s21, s2  }
0x9d: {  	[timem:s6], [sflag:s22] =	dma.local [hbm:s4], s20  }
0x9e: {  	_ =	swait.ge [sflag:s22], s20  }
0x9f: {  	s3 =	ssub.s32 $0x0, s20;
	[sflag:s22] =	ssyncset.done $0x0  }
0xa0: {  	[sflag:s22] =	ssyncadd.s32 s3;
	_ =	sdelay $0x1  }
0xa1: {  	s23 =	simm.s32 $0x1B8B  }
0xa2: {  	_ =	swait.ge [sflag:s23], $0x1  }
0xa3: {  	[sflag:s23] =	ssyncset.done $0x0  }
0xa4: {  	s25 =	simm.s32 $0x1B8E;
	s24 =	sld [smem:$0x3FFE];
	[sflag:s23] =	ssyncadd.s32 $0xFFFFFFFF  }
0xa5: {  	s26 =	simm.s32 $execute0_lowered;
	[smem:$0x3FD2] =	sst s25  }
0xa6: {  	s4 =	sshll.u32 s26, $0x1;
	_ =	strace $0x80000046;
	[dreg:$0x1] =	wrdreg $0xFFFFFFFF  }
0xa7: {  	s28 =	simm.s32 $_size_execute0_lowered;
	s2 =	sadd.s32 s2, s4;
	[dreg:$0x0] =	wrdreg $0x0  }
0xa8: {  	s4 =	sshll.u32 s28, $0x1;
	[dreg:$0x2] =	wrdreg s2  }
0xa9: {  	[dreg:$0x3] =	wrdreg s4  }
0xaa: {  	[dreg:$0x4] =	wrdreg $0xC0  }
0xab: {  	_ =	task [dreg:s6], $0x5FFFF  }
0xac: {  	[dreg:$0x1] =	wrdreg $0xFFFFFFFF  }
0xad: {  	[dreg:$0x0] =	wrdreg $0x60  }
0xae: {  	[dreg:$0x2] =	wrdreg s24  }
0xaf: {  	[dreg:$0x3] =	wrdreg $0x9  }
0xb0: {  	_ =	task.clear_ibuf [dreg:s6], $0x4FFFF;
	_ =	strace $0x90000046  }
0xb1: {  	s29 =	simm.s32 $0x9;
	_ =	strace $0x80000048  }
0xb2: {  	_ =	swait.ge [sflag:s29], $0x1  }
0xb3: {  	[sflag:s29] =	ssyncadd.s32 $0xFFFFFFFF  }
0xb4: {  	_ =	strace $0x90000048  }
0xb5: {  	_ =	sfence  }
0xb6: {  	s30 =	sld [smem:$0x0];
	_ =	sdelay $0x2  }
0xb7: {  	s31 =	sshll.u32 s1, $0xD;
	s1 =	sshrl.u32 s1, $0x2  }
0xb8: {  	s3 =	sand.u32 $0x4000, s31;
	s1 =	sadd.s32 s1, s30  }
0xb9: {  	s0 =	sor.u32 s3, s0;
	s1 =	sshll.u32 s1, $0x11  }
0xba: {  	s0 =	sor.u32 s1, s0  }
0xbb: {  	s0 =	sadd.s32 $0x8F2B, s0  }
0xbc: {  	[sflag:s0] =	ssyncadd.remote.s32 $0x1  }
0xbd: {  	_ =	sfence.sel $0xFFFF  }
0xbe: {  	[dreg:$0x0] =	wrdreg $0xFFFFFFFF;
	(pc) =	sbr.abs _section_cstart, $3  }
0xbf: {  	[dreg:$0x1] =	wrdreg $0xFFFFFFFF  }
0xc0: {  	_ =	task.clear_ibuf [dreg:s6], $0x2FFFF;
	_ =	strace $0x9FFFFFFF  }
0xc1: {  	(tm) =	ssettm $0x7FFFFFFF  }
tec
execute0_lowered:
.L_overlay_start_1:
0x0: {  	(tag) =	ssettag $0x1  }
0x1: {  	s1 =	srdreg.scid  }
0x2: {  	s0 =	stileid.u32;
	s26 =	sand.u32 $0x1, s1  }
0x3: {  	s12 =	rddreg [dreg:$0x0];
	s3 =	sshll.u32 s0, $0xA;
	s4 =	sshll.u32 s26, $0x9  }
0x4: {  	s2 =	simm.s32 $0x0;
	s1 =	rddreg [dreg:$0x1];
	s24 =	sor.u32 s4, s3  }
0x5: {  	[smem:$0x7FF] =	sst s2;
	s22 =	sadd.s32 $0x1600, s12;
	s5 =	sshrl.u32 s24, $0x3  }
0x6: {  	_ =	strace $0x80000047;
	s4 =	simm.s32 $0x3;
	s3 =	sadd.s32 s22, s5  }
0x7: {  	[tilespmem:s2], [sflag:$0x3] =	stream.linear.gather [hbm4b:s3+s2], $0x80, $0x38;
	[tilespmem:$0x8100] =	vst v63  }
0x8: {  	_ =	swait.ge [sflag:s4], $0x80  }
0x9: {  	s23 =	sadd.s32 $0xE00, s12;
	[sflag:s4] =	ssyncset.done $0x0  }
0xa: {  	s6 =	simm.s32 $0x80;
	s5 =	sadd.s32 s23, s5;
	[sflag:s4] =	ssyncadd.s32 $0xFFFFFF80  }
0xb: {  	[tilespmem:s6], [sflag:$0x3] =	stream.linear.gather [hbm4b:s5+s2], $0x80, $0x38;
	[tilespmem:$0x8100] =	vst v63  }
0xc: {  	_ =	swait.ge [sflag:s4], $0x80  }
0xd: {  	[sflag:s4] =	ssyncset.done $0x0  }
0xe: {  	s8 =	simm.s32 $0x100;
	s7 =	sadd.s32 $0x2600, s12;
	[sflag:s4] =	ssyncadd.s32 $0xFFFFFF80  }
0xf: {  	[tilespmem:s8], [sflag:$0x1] =	stream.indirect.gather [hbm4b:s7+s6], $0x80, s2, s6, $0xb8;
	[tilespmem:$0x8100] =	vst v63  }
0x10: {  	s9 =	simm.s32 $0x4100;
	s10 =	simm.s32 $0x1  }
0x11: {  	[tilespmem:s9], [sflag:$0x1] =	stream.indirect.gather [hbm4b:s7+s6], $0x80, s6, s6, $0xb8;
	[tilespmem:$0x8100] =	vst v63  }
0x12: {  	_ =	swait.ge [sflag:s10], $0x4000  }
0x13: {  	s25 =	sadd.s32 $0x192600, s12;
	s13 =	sshll.u32 s24, $0x4;
	[sflag:s10] =	ssyncset.done $0x0  }
0x14: {  	s11 =	sadd.s32 s25, s13;
	[sflag:s10] =	ssyncadd.s32 $0xFFFFC000  }
0x15: {  	[hbm4b:s11+s2] =	stream.linear.scatter [tilespmem:s8], [sflag:$0x2], $0x4000, $0x38;
	[tilespmem:$0x8100] =	vst v63  }
0x16: {  	_ =	swait.ge [sflag:s10], $0x4000  }
0x17: {  	s28 =	sadd.s32 $0x1D2600, s12;
	[sflag:s10] =	ssyncset.done $0x0  }
0x18: {  	s12 =	simm.s32 $0x2;
	s13 =	sadd.s32 s28, s13;
	[sflag:s10] =	ssyncadd.s32 $0xFFFFC000  }
0x19: {  	[hbm4b:s13+s2] =	stream.linear.scatter [tilespmem:s9], [sflag:$0x2], $0x4000, $0x38;
	[tilespmem:$0x8100] =	vst v63  }
0x1a: {  	_ =	swait.ge [sflag:s12], $0x4000  }
0x1b: {  	[sflag:s12] =	ssyncset.done $0x0  }
0x1c: {  	[sflag:s12] =	ssyncadd.s32 $0xFFFFC000  }
0x1d: {  	s16 =	sor.u32 $0x80, s24;
	_ =	swait.ge [sflag:s12], $0x4000  }
0x1e: {  	s15 =	sshrl.u32 s16, $0x3;
	[sflag:s12] =	ssyncset.done $0x0  }
0x1f: {  	s14 =	sadd.s32 s22, s15;
	[sflag:s12] =	ssyncadd.s32 $0xFFFFC000  }
0x20: {  	[tilespmem:s2], [sflag:$0x3] =	stream.linear.gather [hbm4b:s14+s2], $0x80, $0x38;
	[tilespmem:$0x8100] =	vst v63  }
0x21: {  	_ =	swait.ge [sflag:s4], $0x80  }
0x22: {  	[sflag:s4] =	ssyncset.done $0x0  }
0x23: {  	s15 =	sadd.s32 s23, s15;
	[sflag:s4] =	ssyncadd.s32 $0xFFFFFF80  }
0x24: {  	[tilespmem:s6], [sflag:$0x3] =	stream.linear.gather [hbm4b:s15+s2], $0x80, $0x38;
	[tilespmem:$0x8100] =	vst v63  }
0x25: {  	_ =	swait.ge [sflag:s4], $0x80  }
0x26: {  	[sflag:s4] =	ssyncset.done $0x0  }
0x27: {  	[sflag:s4] =	ssyncadd.s32 $0xFFFFFF80  }
0x28: {  	[tilespmem:s8], [sflag:$0x1] =	stream.indirect.gather [hbm4b:s7+s6], $0x80, s2, s6, $0xb8;
	[tilespmem:$0x8100] =	vst v63  }
0x29: {  	_ = 	snop  }
0x2a: {  	[tilespmem:s9], [sflag:$0x1] =	stream.indirect.gather [hbm4b:s7+s6], $0x80, s6, s6, $0xb8;
	[tilespmem:$0x8100] =	vst v63  }
0x2b: {  	_ =	swait.ge [sflag:s10], $0x4000  }
0x2c: {  	s17 =	sshll.u32 s16, $0x4;
	[sflag:s10] =	ssyncset.done $0x0  }
0x2d: {  	s16 =	sadd.s32 s25, s17;
	[sflag:s10] =	ssyncadd.s32 $0xFFFFC000  }
0x2e: {  	[hbm4b:s16+s2] =	stream.linear.scatter [tilespmem:s8], [sflag:$0x2], $0x4000, $0x38;
	[tilespmem:$0x8100] =	vst v63  }
0x2f: {  	_ =	swait.ge [sflag:s10], $0x4000  }
0x30: {  	[sflag:s10] =	ssyncset.done $0x0  }
0x31: {  	s17 =	sadd.s32 s28, s17;
	[sflag:s10] =	ssyncadd.s32 $0xFFFFC000  }
0x32: {  	[hbm4b:s17+s2] =	stream.linear.scatter [tilespmem:s9], [sflag:$0x2], $0x4000, $0x38;
	[tilespmem:$0x8100] =	vst v63  }
0x33: {  	_ =	swait.ge [sflag:s12], $0x4000  }
0x34: {  	[sflag:s12] =	ssyncset.done $0x0  }
0x35: {  	[sflag:s12] =	ssyncadd.s32 $0xFFFFC000  }
0x36: {  	s20 =	sor.u32 $0x100, s24;
	_ =	swait.ge [sflag:s12], $0x4000  }
0x37: {  	s19 =	sshrl.u32 s20, $0x3;
	[sflag:s12] =	ssyncset.done $0x0  }
0x38: {  	s18 =	sadd.s32 s22, s19;
	[sflag:s12] =	ssyncadd.s32 $0xFFFFC000  }
0x39: {  	[tilespmem:s2], [sflag:$0x3] =	stream.linear.gather [hbm4b:s18+s2], $0x80, $0x38;
	[tilespmem:$0x8100] =	vst v63  }
0x3a: {  	_ =	swait.ge [sflag:s4], $0x80  }
0x3b: {  	[sflag:s4] =	ssyncset.done $0x0  }
0x3c: {  	s19 =	sadd.s32 s23, s19;
	[sflag:s4] =	ssyncadd.s32 $0xFFFFFF80  }
0x3d: {  	[tilespmem:s6], [sflag:$0x3] =	stream.linear.gather [hbm4b:s19+s2], $0x80, $0x38;
	[tilespmem:$0x8100] =	vst v63  }
0x3e: {  	_ =	swait.ge [sflag:s4], $0x80  }
0x3f: {  	[sflag:s4] =	ssyncset.done $0x0  }
0x40: {  	[sflag:s4] =	ssyncadd.s32 $0xFFFFFF80  }
0x41: {  	[tilespmem:s8], [sflag:$0x1] =	stream.indirect.gather [hbm4b:s7+s6], $0x80, s2, s6, $0xb8;
	[tilespmem:$0x8100] =	vst v63  }
0x42: {  	_ = 	snop  }
0x43: {  	[tilespmem:s9], [sflag:$0x1] =	stream.indirect.gather [hbm4b:s7+s6], $0x80, s6, s6, $0xb8;
	[tilespmem:$0x8100] =	vst v63  }
0x44: {  	_ =	swait.ge [sflag:s10], $0x4000  }
0x45: {  	s21 =	sshll.u32 s20, $0x4;
	[sflag:s10] =	ssyncset.done $0x0  }
0x46: {  	s20 =	sadd.s32 s25, s21;
	[sflag:s10] =	ssyncadd.s32 $0xFFFFC000  }
0x47: {  	[hbm4b:s20+s2] =	stream.linear.scatter [tilespmem:s8], [sflag:$0x2], $0x4000, $0x38;
	[tilespmem:$0x8100] =	vst v63  }
0x48: {  	_ =	swait.ge [sflag:s10], $0x4000  }
0x49: {  	[sflag:s10] =	ssyncset.done $0x0  }
0x4a: {  	s21 =	sadd.s32 s28, s21;
	[sflag:s10] =	ssyncadd.s32 $0xFFFFC000  }
0x4b: {  	[hbm4b:s21+s2] =	stream.linear.scatter [tilespmem:s9], [sflag:$0x2], $0x4000, $0x38;
	[tilespmem:$0x8100] =	vst v63  }
0x4c: {  	_ =	swait.ge [sflag:s12], $0x4000  }
0x4d: {  	[sflag:s12] =	ssyncset.done $0x0  }
0x4e: {  	[sflag:s12] =	ssyncadd.s32 $0xFFFFC000  }
0x4f: {  	s24 =	sor.u32 $0x180, s24;
	_ =	swait.ge [sflag:s12], $0x4000  }
0x50: {  	s29 =	sshrl.u32 s24, $0x3;
	[sflag:s12] =	ssyncset.done $0x0  }
0x51: {  	s22 =	sadd.s32 s22, s29;
	[sflag:s12] =	ssyncadd.s32 $0xFFFFC000  }
0x52: {  	[tilespmem:s2], [sflag:$0x3] =	stream.linear.gather [hbm4b:s22+s2], $0x80, $0x38;
	[tilespmem:$0x8100] =	vst v63  }
0x53: {  	_ =	swait.ge [sflag:s4], $0x80  }
0x54: {  	[sflag:s4] =	ssyncset.done $0x0  }
0x55: {  	s23 =	sadd.s32 s23, s29;
	[sflag:s4] =	ssyncadd.s32 $0xFFFFFF80  }
0x56: {  	[tilespmem:s6], [sflag:$0x3] =	stream.linear.gather [hbm4b:s23+s2], $0x80, $0x38;
	[tilespmem:$0x8100] =	vst v63  }
0x57: {  	_ =	swait.ge [sflag:s4], $0x80  }
0x58: {  	[sflag:s4] =	ssyncset.done $0x0  }
0x59: {  	[sflag:s4] =	ssyncadd.s32 $0xFFFFFF80  }
0x5a: {  	[tilespmem:s8], [sflag:$0x1] =	stream.indirect.gather [hbm4b:s7+s6], $0x80, s2, s6, $0xb8;
	[tilespmem:$0x8100] =	vst v63  }
0x5b: {  	_ = 	snop  }
0x5c: {  	[tilespmem:s9], [sflag:$0x1] =	stream.indirect.gather [hbm4b:s7+s6], $0x80, s6, s6, $0xb8;
	[tilespmem:$0x8100] =	vst v63  }
0x5d: {  	_ =	swait.ge [sflag:s10], $0x4000  }
0x5e: {  	s26 =	ssub.s32 $0x2, s26;
	s30 =	sshll.u32 s24, $0x4;
	[sflag:s10] =	ssyncset.done $0x0  }
0x5f: {  	s31 =	sshrl.u32 s26, $0x1;
	s24 =	sadd.s32 s25, s30;
	[sflag:s10] =	ssyncadd.s32 $0xFFFFC000  }
0x60: {  	[hbm4b:s24+s2] =	stream.linear.scatter [tilespmem:s8], [sflag:$0x2], $0x4000, $0x38;
	[tilespmem:$0x8100] =	vst v63  }
0x61: {  	s26 =	ssub.s32 s26, s31;
	_ =	swait.ge [sflag:s10], $0x4000  }
0x62: {  	s26 =	smax.u32 s26, $0x1;
	[sflag:s10] =	ssyncset.done $0x0  }
0x63: {  	s25 =	sadd.s32 s28, s30;
	p0 =	sne.s32 s26, $0x1;
	[sflag:s10] =	ssyncadd.s32 $0xFFFFC000  }
0x64: {  	[hbm4b:s25+s2] =	stream.linear.scatter [tilespmem:s9], [sflag:$0x2], $0x4000, $0x38;
	[tilespmem:$0x8100] =	vst v63  }
.Ltmp0:
0x65: {  	_ =	swait.ge [sflag:s12], $0x4000;
	(pc) =	sbr.rel @!p0 .LBB2_2-.Ltmp0, $4  }
0x66: {  	[sflag:s12] =	ssyncset.done $0x0  }
0x67: {  	[sflag:s12] =	ssyncadd.s32 $0xFFFFC000  }
0x68: {  	_ =	swait.ge [sflag:s12], $0x4000  }
0x69: {  	s26 =	sadd.s32 $0xFFFFFFFF, s26;
	[sflag:s12] =	ssyncset.done $0x0  }
.LBB2_1:
0x6a: {  	p0 =	sne.s32 s26, $0x1;
	s26 =	sadd.s32 $0xFFFFFFFF, s26;
	[sflag:s12] =	ssyncadd.s32 $0xFFFFC000  }
0x6b: {  	[tilespmem:s2], [sflag:$0x3] =	stream.linear.gather [hbm4b:s3+s2], $0x80, $0x38;
	[tilespmem:$0x8100] =	vst v63  }
0x6c: {  	_ =	swait.ge [sflag:s4], $0x80  }
0x6d: {  	[sflag:s4] =	ssyncset.done $0x0  }
0x6e: {  	[sflag:s4] =	ssyncadd.s32 $0xFFFFFF80  }
0x6f: {  	[tilespmem:s6], [sflag:$0x3] =	stream.linear.gather [hbm4b:s5+s2], $0x80, $0x38;
	[tilespmem:$0x8100] =	vst v63  }
0x70: {  	_ =	swait.ge [sflag:s4], $0x80  }
0x71: {  	[sflag:s4] =	ssyncset.done $0x0  }
0x72: {  	[sflag:s4] =	ssyncadd.s32 $0xFFFFFF80  }
0x73: {  	[tilespmem:s8], [sflag:$0x1] =	stream.indirect.gather [hbm4b:s7+s6], $0x80, s2, s6, $0xb8;
	[tilespmem:$0x8100] =	vst v63  }
0x74: {  	_ = 	snop  }
0x75: {  	[tilespmem:s9], [sflag:$0x1] =	stream.indirect.gather [hbm4b:s7+s6], $0x80, s6, s6, $0xb8;
	[tilespmem:$0x8100] =	vst v63  }
0x76: {  	_ =	swait.ge [sflag:s10], $0x4000  }
0x77: {  	[sflag:s10] =	ssyncset.done $0x0  }
0x78: {  	[sflag:s10] =	ssyncadd.s32 $0xFFFFC000  }
0x79: {  	[hbm4b:s11+s2] =	stream.linear.scatter [tilespmem:s8], [sflag:$0x2], $0x4000, $0x38;
	[tilespmem:$0x8100] =	vst v63  }
0x7a: {  	_ =	swait.ge [sflag:s10], $0x4000  }
0x7b: {  	[sflag:s10] =	ssyncset.done $0x0  }
0x7c: {  	[sflag:s10] =	ssyncadd.s32 $0xFFFFC000  }
0x7d: {  	[hbm4b:s13+s2] =	stream.linear.scatter [tilespmem:s9], [sflag:$0x2], $0x4000, $0x38;
	[tilespmem:$0x8100] =	vst v63  }
0x7e: {  	_ =	swait.ge [sflag:s12], $0x4000  }
0x7f: {  	[sflag:s12] =	ssyncset.done $0x0  }
0x80: {  	[sflag:s12] =	ssyncadd.s32 $0xFFFFC000  }
0x81: {  	_ =	swait.ge [sflag:s12], $0x4000  }
0x82: {  	[sflag:s12] =	ssyncset.done $0x0  }
0x83: {  	[sflag:s12] =	ssyncadd.s32 $0xFFFFC000  }
0x84: {  	[tilespmem:s2], [sflag:$0x3] =	stream.linear.gather [hbm4b:s14+s2], $0x80, $0x38;
	[tilespmem:$0x8100] =	vst v63  }
0x85: {  	_ =	swait.ge [sflag:s4], $0x80  }
0x86: {  	[sflag:s4] =	ssyncset.done $0x0  }
0x87: {  	[sflag:s4] =	ssyncadd.s32 $0xFFFFFF80  }
0x88: {  	[tilespmem:s6], [sflag:$0x3] =	stream.linear.gather [hbm4b:s15+s2], $0x80, $0x38;
	[tilespmem:$0x8100] =	vst v63  }
0x89: {  	_ =	swait.ge [sflag:s4], $0x80  }
0x8a: {  	[sflag:s4] =	ssyncset.done $0x0  }
0x8b: {  	[sflag:s4] =	ssyncadd.s32 $0xFFFFFF80  }
0x8c: {  	[tilespmem:s8], [sflag:$0x1] =	stream.indirect.gather [hbm4b:s7+s6], $0x80, s2, s6, $0xb8;
	[tilespmem:$0x8100] =	vst v63  }
0x8d: {  	_ = 	snop  }
0x8e: {  	[tilespmem:s9], [sflag:$0x1] =	stream.indirect.gather [hbm4b:s7+s6], $0x80, s6, s6, $0xb8;
	[tilespmem:$0x8100] =	vst v63  }
0x8f: {  	_ =	swait.ge [sflag:s10], $0x4000  }
0x90: {  	[sflag:s10] =	ssyncset.done $0x0  }
0x91: {  	[sflag:s10] =	ssyncadd.s32 $0xFFFFC000  }
0x92: {  	[hbm4b:s16+s2] =	stream.linear.scatter [tilespmem:s8], [sflag:$0x2], $0x4000, $0x38;
	[tilespmem:$0x8100] =	vst v63  }
0x93: {  	_ =	swait.ge [sflag:s10], $0x4000  }
0x94: {  	[sflag:s10] =	ssyncset.done $0x0  }
0x95: {  	[sflag:s10] =	ssyncadd.s32 $0xFFFFC000  }
0x96: {  	[hbm4b:s17+s2] =	stream.linear.scatter [tilespmem:s9], [sflag:$0x2], $0x4000, $0x38;
	[tilespmem:$0x8100] =	vst v63  }
0x97: {  	_ =	swait.ge [sflag:s12], $0x4000  }
0x98: {  	[sflag:s12] =	ssyncset.done $0x0  }
0x99: {  	[sflag:s12] =	ssyncadd.s32 $0xFFFFC000  }
0x9a: {  	_ =	swait.ge [sflag:s12], $0x4000  }
0x9b: {  	[sflag:s12] =	ssyncset.done $0x0  }
0x9c: {  	[sflag:s12] =	ssyncadd.s32 $0xFFFFC000  }
0x9d: {  	[tilespmem:s2], [sflag:$0x3] =	stream.linear.gather [hbm4b:s18+s2], $0x80, $0x38;
	[tilespmem:$0x8100] =	vst v63  }
0x9e: {  	_ =	swait.ge [sflag:s4], $0x80  }
0x9f: {  	[sflag:s4] =	ssyncset.done $0x0  }
0xa0: {  	[sflag:s4] =	ssyncadd.s32 $0xFFFFFF80  }
0xa1: {  	[tilespmem:s6], [sflag:$0x3] =	stream.linear.gather [hbm4b:s19+s2], $0x80, $0x38;
	[tilespmem:$0x8100] =	vst v63  }
0xa2: {  	_ =	swait.ge [sflag:s4], $0x80  }
0xa3: {  	[sflag:s4] =	ssyncset.done $0x0  }
0xa4: {  	[sflag:s4] =	ssyncadd.s32 $0xFFFFFF80  }
0xa5: {  	[tilespmem:s8], [sflag:$0x1] =	stream.indirect.gather [hbm4b:s7+s6], $0x80, s2, s6, $0xb8;
	[tilespmem:$0x8100] =	vst v63  }
0xa6: {  	_ = 	snop  }
0xa7: {  	[tilespmem:s9], [sflag:$0x1] =	stream.indirect.gather [hbm4b:s7+s6], $0x80, s6, s6, $0xb8;
	[tilespmem:$0x8100] =	vst v63  }
0xa8: {  	_ =	swait.ge [sflag:s10], $0x4000  }
0xa9: {  	[sflag:s10] =	ssyncset.done $0x0  }
0xaa: {  	[sflag:s10] =	ssyncadd.s32 $0xFFFFC000  }
0xab: {  	[hbm4b:s20+s2] =	stream.linear.scatter [tilespmem:s8], [sflag:$0x2], $0x4000, $0x38;
	[tilespmem:$0x8100] =	vst v63  }
0xac: {  	_ =	swait.ge [sflag:s10], $0x4000  }
0xad: {  	[sflag:s10] =	ssyncset.done $0x0  }
0xae: {  	[sflag:s10] =	ssyncadd.s32 $0xFFFFC000  }
0xaf: {  	[hbm4b:s21+s2] =	stream.linear.scatter [tilespmem:s9], [sflag:$0x2], $0x4000, $0x38;
	[tilespmem:$0x8100] =	vst v63  }
0xb0: {  	_ =	swait.ge [sflag:s12], $0x4000  }
0xb1: {  	[sflag:s12] =	ssyncset.done $0x0  }
0xb2: {  	[sflag:s12] =	ssyncadd.s32 $0xFFFFC000  }
0xb3: {  	_ =	swait.ge [sflag:s12], $0x4000  }
0xb4: {  	[sflag:s12] =	ssyncset.done $0x0  }
0xb5: {  	[sflag:s12] =	ssyncadd.s32 $0xFFFFC000  }
0xb6: {  	[tilespmem:s2], [sflag:$0x3] =	stream.linear.gather [hbm4b:s22+s2], $0x80, $0x38;
	[tilespmem:$0x8100] =	vst v63  }
0xb7: {  	_ =	swait.ge [sflag:s4], $0x80  }
0xb8: {  	[sflag:s4] =	ssyncset.done $0x0  }
0xb9: {  	[sflag:s4] =	ssyncadd.s32 $0xFFFFFF80  }
0xba: {  	[tilespmem:s6], [sflag:$0x3] =	stream.linear.gather [hbm4b:s23+s2], $0x80, $0x38;
	[tilespmem:$0x8100] =	vst v63  }
0xbb: {  	_ =	swait.ge [sflag:s4], $0x80  }
0xbc: {  	[sflag:s4] =	ssyncset.done $0x0  }
0xbd: {  	[sflag:s4] =	ssyncadd.s32 $0xFFFFFF80  }
0xbe: {  	[tilespmem:s8], [sflag:$0x1] =	stream.indirect.gather [hbm4b:s7+s6], $0x80, s2, s6, $0xb8;
	[tilespmem:$0x8100] =	vst v63  }
0xbf: {  	_ = 	snop  }
0xc0: {  	[tilespmem:s9], [sflag:$0x1] =	stream.indirect.gather [hbm4b:s7+s6], $0x80, s6, s6, $0xb8;
	[tilespmem:$0x8100] =	vst v63  }
0xc1: {  	_ =	swait.ge [sflag:s10], $0x4000  }
0xc2: {  	[sflag:s10] =	ssyncset.done $0x0  }
0xc3: {  	[sflag:s10] =	ssyncadd.s32 $0xFFFFC000  }
0xc4: {  	[hbm4b:s24+s2] =	stream.linear.scatter [tilespmem:s8], [sflag:$0x2], $0x4000, $0x38;
	[tilespmem:$0x8100] =	vst v63  }
0xc5: {  	_ =	swait.ge [sflag:s10], $0x4000  }
0xc6: {  	[sflag:s10] =	ssyncset.done $0x0  }
0xc7: {  	[sflag:s10] =	ssyncadd.s32 $0xFFFFC000  }
0xc8: {  	[hbm4b:s25+s2] =	stream.linear.scatter [tilespmem:s9], [sflag:$0x2], $0x4000, $0x38;
	[tilespmem:$0x8100] =	vst v63  }
.Ltmp1:
0xc9: {  	_ =	swait.ge [sflag:s12], $0x4000;
	(pc) =	sbr.rel @p0 .LBB2_1-.Ltmp1, $4  }
0xca: {  	[sflag:s12] =	ssyncset.done $0x0  }
0xcb: {  	[sflag:s12] =	ssyncadd.s32 $0xFFFFC000  }
0xcc: {  	_ =	swait.ge [sflag:s12], $0x4000  }
0xcd: {  	[sflag:s12] =	ssyncset.done $0x0  }
.LBB2_2:
0xce: {  	[sflag:s12] =	ssyncadd.s32 $0xFFFFC000  }
0xcf: {  	_ =	sfence.sel $0x180000  }
0xd0: {  	[bflag:$0x0] =	sbarrier.arrive $0xFFFF  }
0xd1: {  	p0 =	sne.s32 s0, $0x0;
	_ =	strace $0x90000047  }
0xd2: {  	s0 =	sadd.s32 @!p0 $0x100000, s1;
	[bflag:$0x2] =	sbarrier.arrive $0xFFFF  }
0xd3: {  	[sflag:s0] =	ssyncadd.tile.s32 @!p0 $0x1;
	_ =	shalt  }
.Lfunc_end2:
_tile_overlayer_lowered:
.L_overlay_start_2:
0xd4: {  	(tag) =	ssettag $0x2  }
0xd5: {  	s0 =	rddreg [dreg:$0x0];
	s2 =	stileid.u32  }
0xd6: {  	s1 =	rddreg [dreg:$0x1];
	p0 =	sne.s32 s2, $0x0  }
0xd7: {  	s3 =	rddreg [dreg:$0x2];
	[bflag:$0x3] =	sbarrier.arrive $0xFFFF;
	s2 =	simm.s32 @!p0 $0x1C03  }
0xd8: {  	[timem:s3], [sflag:s2] =	dma.local @!p0 [hbm:s0], s1  }
0xd9: {  	s0 =	simm.s32 @!p0 $0x3  }
0xda: {  	_ =	swait.ge @!p0 [sflag:s0], s1  }
0xdb: {  	s1 =	ssub.s32 @!p0 $0x0, s1;
	[sflag:s0] =	ssyncset.done @!p0 $0x0  }
0xdc: {  	[sflag:s0] =	ssyncadd.s32 @!p0 s1  }
0xdd: {  	[bflag:$0x3] =	sbarrier.arrive $0xFFFF  }
0xde: {  	_ =	shalt  }

</sc_bundles>
